<compile_context>
chip_gen: v7x
topology: tpu7x:2x2x1
jax: 0.10.2.dev20260603
libtpu: 0.0.44.dev20260713+nightly
codegen_flags: <defaults>
</compile_context>

<pallas_src>
import functools

import jax
import jax.numpy as jnp
from jax import lax
from jax.experimental import pallas as pl
from jax.experimental.pallas import tpu as pltpu
from jax.experimental.pallas import tpu_sc as plsc

N = 10000
E = 320000
NPAD = 10240
NW = 32
EPW = E // NW
K = 128
EPW_PAD = 10240
NCHUNK = EPW_PAD // K
GP = K // 16
RPT = NPAD // 16
_SC_PARAMS = pltpu.CompilerParams(use_tc_tiling_on_sc=False)
_MESH = dict(core_axis_name="c", subcore_axis_name="s")


@functools.partial(
    pl.kernel,
    out_type=jax.ShapeDtypeStruct((2, NPAD, 16), jnp.float32),
    mesh=plsc.VectorSubcoreMesh(**_MESH),
    compiler_params=_SC_PARAMS,
    scratch_types=[
        pltpu.VMEM((NCHUNK, K), jnp.int32),
        pltpu.VMEM((K, 16), jnp.float32),
        pltpu.VMEM_SHARED((NPAD, 16), jnp.float32),
    ],
)
def _deg(dstm_hbm, ones_hbm, zeros_hbm, out_hbm, dst_v, ones_v, acc_sh):
    c = lax.axis_index("c")
    s = lax.axis_index("s")
    wid = s * 2 + c
    pltpu.sync_copy(dstm_hbm.at[wid], dst_v)
    pltpu.sync_copy(ones_hbm, ones_v)
    pltpu.sync_copy(zeros_hbm.at[pl.ds(s * RPT, RPT)],
                    acc_sh.at[pl.ds(s * RPT, RPT)])
    plsc.subcore_barrier()

    def body(j, carry):
        pltpu.sync_copy(ones_v, acc_sh.at[dst_v.at[j]], add=True)
        return carry

    lax.fori_loop(0, NCHUNK, body, 0)
    plsc.subcore_barrier()
    pltpu.sync_copy(acc_sh.at[pl.ds(s * RPT, RPT)],
                    out_hbm.at[c, pl.ds(s * RPT, RPT)])


def _make_prop(F):

    @functools.partial(
        pl.kernel,
        out_type=jax.ShapeDtypeStruct((2, NPAD, F), jnp.float32),
        mesh=plsc.VectorSubcoreMesh(**_MESH),
        compiler_params=_SC_PARAMS,
        scratch_types=[
            pltpu.VMEM((NCHUNK, K), jnp.int32),
            pltpu.VMEM((NCHUNK, K), jnp.int32),
            pltpu.VMEM((K, F), jnp.float32),
            pltpu.VMEM((K, F), jnp.float32),
            pltpu.VMEM_SHARED((NPAD, F), jnp.float32),
            pltpu.VMEM_SHARED((NPAD, F), jnp.float32),
            pltpu.SemaphoreType.DMA,
            pltpu.SemaphoreType.DMA,
        ],
    )
    def prop(h_hbm, zeros_hbm, srcm_hbm, dstm_hbm, out_hbm,
             src_v, dst_v, rows0, rows1, acc_sh, h_sh, sem0, sem1):
        c = lax.axis_index("c")
        s = lax.axis_index("s")
        wid = s * 2 + c
        pltpu.sync_copy(srcm_hbm.at[wid], src_v)
        pltpu.sync_copy(dstm_hbm.at[wid], dst_v)
        pltpu.sync_copy(zeros_hbm.at[pl.ds(s * RPT, RPT)],
                        acc_sh.at[pl.ds(s * RPT, RPT)])
        pltpu.sync_copy(h_hbm.at[pl.ds(s * RPT, RPT)],
                        h_sh.at[pl.ds(s * RPT, RPT)])
        plsc.subcore_barrier()

        pltpu.async_copy(h_sh.at[src_v.at[0]], rows0, sem0)

        def body(jj, carry):
            j0 = jj * 2
            j1 = j0 + 1
            j2 = j0 + 2
            pltpu.async_copy(h_sh.at[src_v.at[j1]], rows1, sem1)
            pltpu.make_async_copy(h_sh.at[src_v.at[j0]], rows0, sem0).wait()
            pltpu.sync_copy(rows0, acc_sh.at[dst_v.at[j0]], add=True)

            @pl.when(j2 < NCHUNK)
            def _():
                pltpu.async_copy(h_sh.at[src_v.at[j2]], rows0, sem0)

            pltpu.make_async_copy(h_sh.at[src_v.at[j1]], rows1, sem1).wait()
            pltpu.sync_copy(rows1, acc_sh.at[dst_v.at[j1]], add=True)
            return carry

        lax.fori_loop(0, NCHUNK // 2, body, 0)
        plsc.subcore_barrier()
        pltpu.sync_copy(acc_sh.at[pl.ds(s * RPT, RPT)],
                        out_hbm.at[c, pl.ds(s * RPT, RPT)])

    return prop


_prop64 = _make_prop(64)
_prop16 = _make_prop(16)

_B = 1000


def _mm1_body(x_ref, w_ref, d0_ref, d1_ref, h_ref, dinv_ref):
    deg = d0_ref[0, :, :1] + d1_ref[0, :, :1] + 1.0
    dinv = lax.rsqrt(deg)
    h = jnp.dot(x_ref[...], w_ref[...], preferred_element_type=jnp.float32)
    h_ref[...] = h * dinv
    dinv_ref[...] = dinv


def _mm1(x, W1, degp):
    return pl.pallas_call(
        _mm1_body,
        grid=(N // _B,),
        in_specs=[
            pl.BlockSpec((_B, 128), lambda i: (i, 0)),
            pl.BlockSpec((128, 64), lambda i: (0, 0)),
            pl.BlockSpec((1, _B, 16), lambda i: (0, i, 0)),
            pl.BlockSpec((1, _B, 16), lambda i: (1, i, 0)),
        ],
        out_specs=[
            pl.BlockSpec((_B, 64), lambda i: (i, 0)),
            pl.BlockSpec((_B, 1), lambda i: (i, 0)),
        ],
        out_shape=[
            jax.ShapeDtypeStruct((NPAD, 64), jnp.float32),
            jax.ShapeDtypeStruct((NPAD, 1), jnp.float32),
        ],
    )(x, W1, degp, degp)


def _mm2_body(p0_ref, p1_ref, h_ref, dinv_ref, b1_ref, w2_ref, out_ref):
    dinv = dinv_ref[...]
    agg = p0_ref[0] + p1_ref[0] + h_ref[...]
    t = jnp.maximum(dinv * agg + b1_ref[...], 0.0)
    h2 = jnp.dot(t, w2_ref[...], preferred_element_type=jnp.float32)
    out_ref[...] = h2 * dinv


def _mm2(p, h1p, dinv, b1, W2):
    return pl.pallas_call(
        _mm2_body,
        grid=(N // _B,),
        in_specs=[
            pl.BlockSpec((1, _B, 64), lambda i: (0, i, 0)),
            pl.BlockSpec((1, _B, 64), lambda i: (1, i, 0)),
            pl.BlockSpec((_B, 64), lambda i: (i, 0)),
            pl.BlockSpec((_B, 1), lambda i: (i, 0)),
            pl.BlockSpec((1, 64), lambda i: (0, 0)),
            pl.BlockSpec((64, 16), lambda i: (0, 0)),
        ],
        out_specs=pl.BlockSpec((_B, 16), lambda i: (i, 0)),
        out_shape=jax.ShapeDtypeStruct((NPAD, 16), jnp.float32),
    )(p, p, h1p, dinv, b1, W2)


def _final_body(q0_ref, q1_ref, h_ref, dinv_ref, b2_ref, out_ref):
    o = dinv_ref[...] * (q0_ref[0] + q1_ref[0] + h_ref[...]) + b2_ref[...]
    m = jnp.max(o, axis=1, keepdims=True)
    lse = jnp.log(jnp.sum(jnp.exp(o - m), axis=1, keepdims=True)) + m
    out_ref[...] = o - lse


def _final(q, h2p, dinv, b2):
    return pl.pallas_call(
        _final_body,
        grid=(N // _B,),
        in_specs=[
            pl.BlockSpec((1, _B, 16), lambda i: (0, i, 0)),
            pl.BlockSpec((1, _B, 16), lambda i: (1, i, 0)),
            pl.BlockSpec((_B, 16), lambda i: (i, 0)),
            pl.BlockSpec((_B, 1), lambda i: (i, 0)),
            pl.BlockSpec((1, 16), lambda i: (0, 0)),
        ],
        out_specs=pl.BlockSpec((_B, 16), lambda i: (i, 0)),
        out_shape=jax.ShapeDtypeStruct((N, 16), jnp.float32),
    )(q, q, h2p, dinv, b2)


def kernel(x, edge_index, W1, b1, W2, b2):
    pad = jnp.full((NW, EPW_PAD - EPW), N, jnp.int32)
    pad_d = jnp.full((NW, EPW_PAD - EPW), NPAD - 1, jnp.int32)
    src = jnp.concatenate(
        [edge_index[0].reshape(NW, EPW), pad], axis=1).reshape(NW, NCHUNK, K)
    dst_flat = jnp.concatenate(
        [edge_index[1].reshape(NW, EPW), pad_d], axis=1)
    dst = dst_flat.reshape(NW, NCHUNK, K)

    zeros64 = jnp.zeros((NPAD, 64), jnp.float32)
    zeros16 = jnp.zeros((NPAD, 16), jnp.float32)
    ones_k = jnp.ones((K, 16), jnp.float32)

    degp = _deg(dst, ones_k, zeros16)
    h1p, dinv = _mm1(x, W1, degp)
    p = _prop64(h1p, zeros64, src, dst)
    h2p = _mm2(p, h1p, dinv, b1.reshape(1, 64), W2)
    q = _prop16(h2p, zeros16, src, dst)
    return _final(q, h2p, dinv, b2.reshape(1, 16))

# --- scband reference (transcript-rebuilt; emitter-appended) ---
"""Pipeline reference for scband-gcn-17119739642383 (READ-ONLY COPY).

The authoritative reference and input builder live on the scoring server;
editing this copy changes nothing except your own understanding.
"""

import jax, jax.numpy as jnp
import numpy as np

N = 10000
E = 320000
D_FEAT = 128
HIDDEN = 64
NUM_LABELS = 16


def setup_inputs(seed: int = 0) -> dict:
    key = jax.random.key(seed)
    k1, k2, k3, k4 = jax.random.split(key, 4)
    x = jax.random.normal(k1, (N, D_FEAT), dtype=jnp.float32)
    edge_index = jax.random.randint(k2, (2, E), 0, N, dtype=jnp.int32)
    # GCNConv weights: layer 1 (D_FEAT -> HIDDEN), layer 2 (HIDDEN -> NUM_LABELS)
    W1 = jax.random.normal(k3, (D_FEAT, HIDDEN), dtype=jnp.float32) * (1.0 / np.sqrt(D_FEAT))
    b1 = jnp.zeros((HIDDEN,), dtype=jnp.float32)
    W2 = jax.random.normal(k4, (HIDDEN, NUM_LABELS), dtype=jnp.float32) * (1.0 / np.sqrt(HIDDEN))
    b2 = jnp.zeros((NUM_LABELS,), dtype=jnp.float32)
    return {"x": x, "edge_index": edge_index, "W1": W1, "b1": b1, "W2": W2, "b2": b2}


def gcn_conv(x, edge_index, W, b):
    # PyG GCNConv: add self-loops, symmetric normalization D^-1/2 (A+I) D^-1/2, then linear
    n = x.shape[0]
    loops = jnp.arange(n, dtype=edge_index.dtype)
    src = jnp.concatenate([edge_index[0], loops])
    dst = jnp.concatenate([edge_index[1], loops])
    deg = jnp.zeros((n,), dtype=x.dtype).at[dst].add(1.0)
    deg_inv_sqrt = jnp.where(deg > 0, jax.lax.rsqrt(jnp.maximum(deg, 1e-12)), 0.0)
    norm = deg_inv_sqrt[src] * deg_inv_sqrt[dst]
    h = x @ W  # linear transform
    msg = h[src] * norm[:, None]  # gather + scale
    out = jnp.zeros((n, W.shape[1]), dtype=x.dtype).at[dst].add(msg)  # scatter-add
    return out + b


def reference(x, edge_index, W1, b1, W2, b2):
    h = gcn_conv(x, edge_index, W1, b1)
    h = jax.nn.relu(h)
    # dropout is identity in eval mode
    h = gcn_conv(h, edge_index, W2, b2)
    return jax.nn.log_softmax(h, axis=1)

if __name__ == "__main__":
    import jax
    _d = setup_inputs()
    print(jax.jit(kernel)(*tuple(_d.values())))

</pallas_src>

<mosaic_0001>
#map = affine_map<(d0, d1) -> (0, 0)>
#map1 = affine_map<(d0, d1) -> (0, 0, 0)>
module attributes {stable_mosaic.version = 14 : i64} {
  func.func @prop(%arg0: i32, %arg1: i32, %arg2: memref<10240x16xf32, #tpu.memory_space<hbm>>, %arg3: memref<10240x16xf32, #tpu.memory_space<hbm>>, %arg4: memref<32x80x128xi32, #tpu.memory_space<hbm>>, %arg5: memref<32x80x128xi32, #tpu.memory_space<hbm>>, %arg6: memref<2x10240x16xf32, #tpu.memory_space<hbm>>, %arg7: memref<80x128xi32, #tpu.memory_space<vmem>>, %arg8: memref<80x128xi32, #tpu.memory_space<vmem>>, %arg9: memref<128x16xf32, #tpu.memory_space<vmem>>, %arg10: memref<128x16xf32, #tpu.memory_space<vmem>>, %arg11: memref<10240x16xf32, #tpu.memory_space<vmem_shared>>, %arg12: memref<10240x16xf32, #tpu.memory_space<vmem_shared>>, %arg13: memref<!tpu.dma_semaphore, #tpu.memory_space<semaphore_mem>>, %arg14: memref<!tpu.dma_semaphore, #tpu.memory_space<semaphore_mem>>) attributes {dimension_semantics = [#tpu.dimension_semantics<core_parallel>, #tpu.dimension_semantics<subcore_parallel>], iteration_bounds = array<i64: 2, 16>, scalar_prefetch = 0 : i64, scratch_operands = 8 : i64, tpu.core_type = #tpu.core_type<sc_vector_subcore>, window_params = [{transform_indices = #map}, {transform_indices = #map}, {transform_indices = #map1}, {transform_indices = #map1}, {transform_indices = #map1}]} {
    %mul3A = arith.constant 2 : i32
    %mul3A_0 = arith.muli %arg1, %mul3A : i32
    %add3A = arith.addi %mul3A_0, %arg0 : i32
    "tpu.region"() ({
      %run_scoped3A = tpu.sem_alloc : memref<!tpu.dma_semaphore, #tpu.memory_space<semaphore_mem>>
      %dma_start3A_25 = arith.constant 0 : i32
      %dma_start3A_26 = arith.constant 0 : i32
      %dma_start3A_27 = tpu.memref_slice %arg4[%add3A, %dma_start3A_25, %dma_start3A_26] : memref<32x80x128xi32, #tpu.memory_space<hbm>> -> memref<1x80x128xi32, #tpu.memory_space<hbm>>
      %dma_start3A_28 = tpu.memref_squeeze %dma_start3A_27 : memref<1x80x128xi32, #tpu.memory_space<hbm>> -> memref<80x128xi32, #tpu.memory_space<hbm>>
      %dma_start3A_29 = arith.constant 0 : i32
      %dma_start3A_30 = arith.constant 0 : i32
      %dma_start3A_31 = tpu.memref_slice %arg4[%add3A, %dma_start3A_29, %dma_start3A_30] : memref<32x80x128xi32, #tpu.memory_space<hbm>> -> memref<1x80x128xi32, #tpu.memory_space<hbm>>
      %dma_start3A_32 = tpu.memref_squeeze %dma_start3A_31 : memref<1x80x128xi32, #tpu.memory_space<hbm>> -> memref<80x128xi32, #tpu.memory_space<hbm>>
      tpu.enqueue_dma source(%dma_start3A_32 : memref<80x128xi32, #tpu.memory_space<hbm>>) target(%arg7 : memref<80x128xi32, #tpu.memory_space<vmem>>) target_semaphore(%run_scoped3A : memref<!tpu.dma_semaphore, #tpu.memory_space<semaphore_mem>>)
      %dma_wait3A = arith.constant 0 : i32
      %dma_wait3A_33 = arith.constant 0 : i32
      %dma_wait3A_34 = tpu.memref_slice %arg4[%add3A, %dma_wait3A, %dma_wait3A_33] : memref<32x80x128xi32, #tpu.memory_space<hbm>> -> memref<1x80x128xi32, #tpu.memory_space<hbm>>
      %dma_wait3A_35 = tpu.memref_squeeze %dma_wait3A_34 : memref<1x80x128xi32, #tpu.memory_space<hbm>> -> memref<80x128xi32, #tpu.memory_space<hbm>>
      %dma_wait3A_36 = arith.constant 0 : i32
      %dma_wait3A_37 = arith.constant 0 : i32
      %dma_wait3A_38 = tpu.memref_slice %arg4[%add3A, %dma_wait3A_36, %dma_wait3A_37] : memref<32x80x128xi32, #tpu.memory_space<hbm>> -> memref<1x80x128xi32, #tpu.memory_space<hbm>>
      %dma_wait3A_39 = tpu.memref_squeeze %dma_wait3A_38 : memref<1x80x128xi32, #tpu.memory_space<hbm>> -> memref<80x128xi32, #tpu.memory_space<hbm>>
      tpu.wait_dma2 semaphore(%run_scoped3A : memref<!tpu.dma_semaphore, #tpu.memory_space<semaphore_mem>>) src(%dma_wait3A_39 : memref<80x128xi32, #tpu.memory_space<hbm>>) dst(%arg7 : memref<80x128xi32, #tpu.memory_space<vmem>>)
      tpu.yield
    }) : () -> ()
    "tpu.region"() ({
      %run_scoped3A = tpu.sem_alloc : memref<!tpu.dma_semaphore, #tpu.memory_space<semaphore_mem>>
      %dma_start3A_25 = arith.constant 0 : i32
      %dma_start3A_26 = arith.constant 0 : i32
      %dma_start3A_27 = tpu.memref_slice %arg5[%add3A, %dma_start3A_25, %dma_start3A_26] : memref<32x80x128xi32, #tpu.memory_space<hbm>> -> memref<1x80x128xi32, #tpu.memory_space<hbm>>
      %dma_start3A_28 = tpu.memref_squeeze %dma_start3A_27 : memref<1x80x128xi32, #tpu.memory_space<hbm>> -> memref<80x128xi32, #tpu.memory_space<hbm>>
      %dma_start3A_29 = arith.constant 0 : i32
      %dma_start3A_30 = arith.constant 0 : i32
      %dma_start3A_31 = tpu.memref_slice %arg5[%add3A, %dma_start3A_29, %dma_start3A_30] : memref<32x80x128xi32, #tpu.memory_space<hbm>> -> memref<1x80x128xi32, #tpu.memory_space<hbm>>
      %dma_start3A_32 = tpu.memref_squeeze %dma_start3A_31 : memref<1x80x128xi32, #tpu.memory_space<hbm>> -> memref<80x128xi32, #tpu.memory_space<hbm>>
      tpu.enqueue_dma source(%dma_start3A_32 : memref<80x128xi32, #tpu.memory_space<hbm>>) target(%arg8 : memref<80x128xi32, #tpu.memory_space<vmem>>) target_semaphore(%run_scoped3A : memref<!tpu.dma_semaphore, #tpu.memory_space<semaphore_mem>>)
      %dma_wait3A = arith.constant 0 : i32
      %dma_wait3A_33 = arith.constant 0 : i32
      %dma_wait3A_34 = tpu.memref_slice %arg5[%add3A, %dma_wait3A, %dma_wait3A_33] : memref<32x80x128xi32, #tpu.memory_space<hbm>> -> memref<1x80x128xi32, #tpu.memory_space<hbm>>
      %dma_wait3A_35 = tpu.memref_squeeze %dma_wait3A_34 : memref<1x80x128xi32, #tpu.memory_space<hbm>> -> memref<80x128xi32, #tpu.memory_space<hbm>>
      %dma_wait3A_36 = arith.constant 0 : i32
      %dma_wait3A_37 = arith.constant 0 : i32
      %dma_wait3A_38 = tpu.memref_slice %arg5[%add3A, %dma_wait3A_36, %dma_wait3A_37] : memref<32x80x128xi32, #tpu.memory_space<hbm>> -> memref<1x80x128xi32, #tpu.memory_space<hbm>>
      %dma_wait3A_39 = tpu.memref_squeeze %dma_wait3A_38 : memref<1x80x128xi32, #tpu.memory_space<hbm>> -> memref<80x128xi32, #tpu.memory_space<hbm>>
      tpu.wait_dma2 semaphore(%run_scoped3A : memref<!tpu.dma_semaphore, #tpu.memory_space<semaphore_mem>>) src(%dma_wait3A_39 : memref<80x128xi32, #tpu.memory_space<hbm>>) dst(%arg8 : memref<80x128xi32, #tpu.memory_space<vmem>>)
      tpu.yield
    }) : () -> ()
    %mul3A_1 = arith.constant 640 : i32
    %mul3A_2 = arith.muli %arg1, %mul3A_1 : i32
    %mul3A_3 = arith.constant 640 : i32
    %mul3A_4 = arith.muli %arg1, %mul3A_3 : i32
    "tpu.region"() ({
      %run_scoped3A = tpu.sem_alloc : memref<!tpu.dma_semaphore, #tpu.memory_space<semaphore_mem>>
      %dma_start3A_25 = arith.constant 0 : i32
      %dma_start3A_26 = tpu.memref_slice %arg11[%mul3A_4, %dma_start3A_25] : memref<10240x16xf32, #tpu.memory_space<vmem_shared>> -> memref<640x16xf32, #tpu.memory_space<vmem_shared>>
      %dma_start3A_27 = arith.constant 0 : i32
      %dma_start3A_28 = tpu.memref_slice %arg3[%mul3A_2, %dma_start3A_27] : memref<10240x16xf32, #tpu.memory_space<hbm>> -> memref<640x16xf32, #tpu.memory_space<hbm>>
      tpu.enqueue_dma source(%dma_start3A_28 : memref<640x16xf32, #tpu.memory_space<hbm>>) target(%dma_start3A_26 : memref<640x16xf32, #tpu.memory_space<vmem_shared>>) target_semaphore(%run_scoped3A : memref<!tpu.dma_semaphore, #tpu.memory_space<semaphore_mem>>)
      %dma_wait3A = arith.constant 0 : i32
      %dma_wait3A_29 = tpu.memref_slice %arg11[%mul3A_4, %dma_wait3A] : memref<10240x16xf32, #tpu.memory_space<vmem_shared>> -> memref<640x16xf32, #tpu.memory_space<vmem_shared>>
      %dma_wait3A_30 = arith.constant 0 : i32
      %dma_wait3A_31 = tpu.memref_slice %arg3[%mul3A_2, %dma_wait3A_30] : memref<10240x16xf32, #tpu.memory_space<hbm>> -> memref<640x16xf32, #tpu.memory_space<hbm>>
      tpu.wait_dma2 semaphore(%run_scoped3A : memref<!tpu.dma_semaphore, #tpu.memory_space<semaphore_mem>>) src(%dma_wait3A_31 : memref<640x16xf32, #tpu.memory_space<hbm>>) dst(%dma_wait3A_29 : memref<640x16xf32, #tpu.memory_space<vmem_shared>>)
      tpu.yield
    }) : () -> ()
    %mul3A_5 = arith.constant 640 : i32
    %mul3A_6 = arith.muli %arg1, %mul3A_5 : i32
    %mul3A_7 = arith.constant 640 : i32
    %mul3A_8 = arith.muli %arg1, %mul3A_7 : i32
    "tpu.region"() ({
      %run_scoped3A = tpu.sem_alloc : memref<!tpu.dma_semaphore, #tpu.memory_space<semaphore_mem>>
      %dma_start3A_25 = arith.constant 0 : i32
      %dma_start3A_26 = tpu.memref_slice %arg12[%mul3A_8, %dma_start3A_25] : memref<10240x16xf32, #tpu.memory_space<vmem_shared>> -> memref<640x16xf32, #tpu.memory_space<vmem_shared>>
      %dma_start3A_27 = arith.constant 0 : i32
      %dma_start3A_28 = tpu.memref_slice %arg2[%mul3A_6, %dma_start3A_27] : memref<10240x16xf32, #tpu.memory_space<hbm>> -> memref<640x16xf32, #tpu.memory_space<hbm>>
      tpu.enqueue_dma source(%dma_start3A_28 : memref<640x16xf32, #tpu.memory_space<hbm>>) target(%dma_start3A_26 : memref<640x16xf32, #tpu.memory_space<vmem_shared>>) target_semaphore(%run_scoped3A : memref<!tpu.dma_semaphore, #tpu.memory_space<semaphore_mem>>)
      %dma_wait3A = arith.constant 0 : i32
      %dma_wait3A_29 = tpu.memref_slice %arg12[%mul3A_8, %dma_wait3A] : memref<10240x16xf32, #tpu.memory_space<vmem_shared>> -> memref<640x16xf32, #tpu.memory_space<vmem_shared>>
      %dma_wait3A_30 = arith.constant 0 : i32
      %dma_wait3A_31 = tpu.memref_slice %arg2[%mul3A_6, %dma_wait3A_30] : memref<10240x16xf32, #tpu.memory_space<hbm>> -> memref<640x16xf32, #tpu.memory_space<hbm>>
      tpu.wait_dma2 semaphore(%run_scoped3A : memref<!tpu.dma_semaphore, #tpu.memory_space<semaphore_mem>>) src(%dma_wait3A_31 : memref<640x16xf32, #tpu.memory_space<hbm>>) dst(%dma_wait3A_29 : memref<640x16xf32, #tpu.memory_space<vmem_shared>>)
      tpu.yield
    }) : () -> ()
    %barrier3A = arith.constant 0 : index
    tpu.barrier barrier_id(%barrier3A)
    %dma_start3A = arith.constant 0 : i32
    %dma_start3A_9 = arith.constant 0 : i32
    %dma_start3A_10 = tpu.memref_slice %arg7[%dma_start3A, %dma_start3A_9] : memref<80x128xi32, #tpu.memory_space<vmem>> -> memref<1x128xi32, #tpu.memory_space<vmem>>
    %dma_start3A_11 = tpu.memref_squeeze %dma_start3A_10 : memref<1x128xi32, #tpu.memory_space<vmem>> -> memref<128xi32, #tpu.memory_space<vmem>>
    %dma_start3A_12 = arith.constant 0 : i32
    %dma_start3A_13 = arith.constant 0 : i32
    %dma_start3A_14 = tpu.memref_slice %arg12[%dma_start3A_12, %dma_start3A_13] : memref<10240x16xf32, #tpu.memory_space<vmem_shared>> -> memref<10240x16xf32, #tpu.memory_space<vmem_shared>>
    tpu.enqueue_indirect_dma source(%dma_start3A_14 : memref<10240x16xf32, #tpu.memory_space<vmem_shared>>) target(%arg9 : memref<128x16xf32, #tpu.memory_space<vmem>>) offsets(%dma_start3A_11 : memref<128xi32, #tpu.memory_space<vmem>>) semaphore(%arg13 : memref<!tpu.dma_semaphore, #tpu.memory_space<semaphore_mem>>)
    %scan3A = arith.constant 0 : i32
    %scan3A_15 = arith.constant 0 : i32
    %scan3A_16 = arith.constant 40 : i32
    %scan3A_17 = arith.addi %scan3A_15, %scan3A_16 : i32
    %scan3A_18 = arith.constant 1 : i32
    scf.for %scan3A_25 = %scan3A_15 to %scan3A_17 step %scan3A_18  : i32 {
      %mul3A_26 = arith.constant 2 : i32
      %mul3A_27 = arith.muli %scan3A_25, %mul3A_26 : i32
      %add3A_28 = arith.constant 1 : i32
      %add3A_29 = arith.addi %mul3A_27, %add3A_28 : i32
      %add3A_30 = arith.constant 2 : i32
      %add3A_31 = arith.addi %mul3A_27, %add3A_30 : i32
      %dma_start3A_32 = arith.constant 0 : i32
      %dma_start3A_33 = tpu.memref_slice %arg7[%add3A_29, %dma_start3A_32] : memref<80x128xi32, #tpu.memory_space<vmem>> -> memref<1x128xi32, #tpu.memory_space<vmem>>
      %dma_start3A_34 = tpu.memref_squeeze %dma_start3A_33 : memref<1x128xi32, #tpu.memory_space<vmem>> -> memref<128xi32, #tpu.memory_space<vmem>>
      %dma_start3A_35 = arith.constant 0 : i32
      %dma_start3A_36 = arith.constant 0 : i32
      %dma_start3A_37 = tpu.memref_slice %arg12[%dma_start3A_35, %dma_start3A_36] : memref<10240x16xf32, #tpu.memory_space<vmem_shared>> -> memref<10240x16xf32, #tpu.memory_space<vmem_shared>>
      tpu.enqueue_indirect_dma source(%dma_start3A_37 : memref<10240x16xf32, #tpu.memory_space<vmem_shared>>) target(%arg10 : memref<128x16xf32, #tpu.memory_space<vmem>>) offsets(%dma_start3A_34 : memref<128xi32, #tpu.memory_space<vmem>>) semaphore(%arg14 : memref<!tpu.dma_semaphore, #tpu.memory_space<semaphore_mem>>)
      %dma_wait3A = arith.constant 0 : i32
      %dma_wait3A_38 = tpu.memref_slice %arg7[%mul3A_27, %dma_wait3A] : memref<80x128xi32, #tpu.memory_space<vmem>> -> memref<1x128xi32, #tpu.memory_space<vmem>>
      %dma_wait3A_39 = tpu.memref_squeeze %dma_wait3A_38 : memref<1x128xi32, #tpu.memory_space<vmem>> -> memref<128xi32, #tpu.memory_space<vmem>>
      %dma_wait3A_40 = arith.constant 0 : i32
      %dma_wait3A_41 = arith.constant 0 : i32
      %dma_wait3A_42 = tpu.memref_slice %arg12[%dma_wait3A_40, %dma_wait3A_41] : memref<10240x16xf32, #tpu.memory_space<vmem_shared>> -> memref<10240x16xf32, #tpu.memory_space<vmem_shared>>
      tpu.wait_indirect_dma semaphore(%arg13 : memref<!tpu.dma_semaphore, #tpu.memory_space<semaphore_mem>>) src(%dma_wait3A_42 : memref<10240x16xf32, #tpu.memory_space<vmem_shared>>) dst(%arg9 : memref<128x16xf32, #tpu.memory_space<vmem>>)
      "tpu.region"() ({
        %run_scoped3A = tpu.sem_alloc : memref<!tpu.dma_semaphore, #tpu.memory_space<semaphore_mem>>
        %dma_start3A_51 = arith.constant 0 : i32
        %dma_start3A_52 = tpu.memref_slice %arg8[%mul3A_27, %dma_start3A_51] : memref<80x128xi32, #tpu.memory_space<vmem>> -> memref<1x128xi32, #tpu.memory_space<vmem>>
        %dma_start3A_53 = tpu.memref_squeeze %dma_start3A_52 : memref<1x128xi32, #tpu.memory_space<vmem>> -> memref<128xi32, #tpu.memory_space<vmem>>
        %dma_start3A_54 = arith.constant 0 : i32
        %dma_start3A_55 = arith.constant 0 : i32
        %dma_start3A_56 = tpu.memref_slice %arg11[%dma_start3A_54, %dma_start3A_55] : memref<10240x16xf32, #tpu.memory_space<vmem_shared>> -> memref<10240x16xf32, #tpu.memory_space<vmem_shared>>
        tpu.enqueue_indirect_dma source(%arg9 : memref<128x16xf32, #tpu.memory_space<vmem>>) target(%dma_start3A_56 : memref<10240x16xf32, #tpu.memory_space<vmem_shared>>) offsets(%dma_start3A_53 : memref<128xi32, #tpu.memory_space<vmem>>) semaphore(%run_scoped3A : memref<!tpu.dma_semaphore, #tpu.memory_space<semaphore_mem>>) {add = true}
        %dma_wait3A_57 = arith.constant 0 : i32
        %dma_wait3A_58 = tpu.memref_slice %arg8[%mul3A_27, %dma_wait3A_57] : memref<80x128xi32, #tpu.memory_space<vmem>> -> memref<1x128xi32, #tpu.memory_space<vmem>>
        %dma_wait3A_59 = tpu.memref_squeeze %dma_wait3A_58 : memref<1x128xi32, #tpu.memory_space<vmem>> -> memref<128xi32, #tpu.memory_space<vmem>>
        %dma_wait3A_60 = arith.constant 0 : i32
        %dma_wait3A_61 = arith.constant 0 : i32
        %dma_wait3A_62 = tpu.memref_slice %arg11[%dma_wait3A_60, %dma_wait3A_61] : memref<10240x16xf32, #tpu.memory_space<vmem_shared>> -> memref<10240x16xf32, #tpu.memory_space<vmem_shared>>
        tpu.wait_indirect_dma semaphore(%run_scoped3A : memref<!tpu.dma_semaphore, #tpu.memory_space<semaphore_mem>>) src(%arg9 : memref<128x16xf32, #tpu.memory_space<vmem>>) dst(%dma_wait3A_62 : memref<10240x16xf32, #tpu.memory_space<vmem_shared>>)
        tpu.yield
      }) : () -> ()
      %lt3A = arith.constant 80 : i32
      %lt3A_43 = arith.cmpi slt, %add3A_31, %lt3A : i32
      %convert_element_type3A = arith.extui %lt3A_43 : i1 to i32
      %cond3A = arith.constant 0 : i32
      %cond3A_44 = arith.cmpi ne, %convert_element_type3A, %cond3A : i32
      scf.if %cond3A_44 {
        %dma_start3A_51 = arith.constant 0 : i32
        %dma_start3A_52 = tpu.memref_slice %arg7[%add3A_31, %dma_start3A_51] : memref<80x128xi32, #tpu.memory_space<vmem>> -> memref<1x128xi32, #tpu.memory_space<vmem>>
        %dma_start3A_53 = tpu.memref_squeeze %dma_start3A_52 : memref<1x128xi32, #tpu.memory_space<vmem>> -> memref<128xi32, #tpu.memory_space<vmem>>
        %dma_start3A_54 = arith.constant 0 : i32
        %dma_start3A_55 = arith.constant 0 : i32
        %dma_start3A_56 = tpu.memref_slice %arg12[%dma_start3A_54, %dma_start3A_55] : memref<10240x16xf32, #tpu.memory_space<vmem_shared>> -> memref<10240x16xf32, #tpu.memory_space<vmem_shared>>
        tpu.enqueue_indirect_dma source(%dma_start3A_56 : memref<10240x16xf32, #tpu.memory_space<vmem_shared>>) target(%arg9 : memref<128x16xf32, #tpu.memory_space<vmem>>) offsets(%dma_start3A_53 : memref<128xi32, #tpu.memory_space<vmem>>) semaphore(%arg13 : memref<!tpu.dma_semaphore, #tpu.memory_space<semaphore_mem>>)
      } else {
      }
      %dma_wait3A_45 = arith.constant 0 : i32
      %dma_wait3A_46 = tpu.memref_slice %arg7[%add3A_29, %dma_wait3A_45] : memref<80x128xi32, #tpu.memory_space<vmem>> -> memref<1x128xi32, #tpu.memory_space<vmem>>
      %dma_wait3A_47 = tpu.memref_squeeze %dma_wait3A_46 : memref<1x128xi32, #tpu.memory_space<vmem>> -> memref<128xi32, #tpu.memory_space<vmem>>
      %dma_wait3A_48 = arith.constant 0 : i32
      %dma_wait3A_49 = arith.constant 0 : i32
      %dma_wait3A_50 = tpu.memref_slice %arg12[%dma_wait3A_48, %dma_wait3A_49] : memref<10240x16xf32, #tpu.memory_space<vmem_shared>> -> memref<10240x16xf32, #tpu.memory_space<vmem_shared>>
      tpu.wait_indirect_dma semaphore(%arg14 : memref<!tpu.dma_semaphore, #tpu.memory_space<semaphore_mem>>) src(%dma_wait3A_50 : memref<10240x16xf32, #tpu.memory_space<vmem_shared>>) dst(%arg10 : memref<128x16xf32, #tpu.memory_space<vmem>>)
      "tpu.region"() ({
        %run_scoped3A = tpu.sem_alloc : memref<!tpu.dma_semaphore, #tpu.memory_space<semaphore_mem>>
        %dma_start3A_51 = arith.constant 0 : i32
        %dma_start3A_52 = tpu.memref_slice %arg8[%add3A_29, %dma_start3A_51] : memref<80x128xi32, #tpu.memory_space<vmem>> -> memref<1x128xi32, #tpu.memory_space<vmem>>
        %dma_start3A_53 = tpu.memref_squeeze %dma_start3A_52 : memref<1x128xi32, #tpu.memory_space<vmem>> -> memref<128xi32, #tpu.memory_space<vmem>>
        %dma_start3A_54 = arith.constant 0 : i32
        %dma_start3A_55 = arith.constant 0 : i32
        %dma_start3A_56 = tpu.memref_slice %arg11[%dma_start3A_54, %dma_start3A_55] : memref<10240x16xf32, #tpu.memory_space<vmem_shared>> -> memref<10240x16xf32, #tpu.memory_space<vmem_shared>>
        tpu.enqueue_indirect_dma source(%arg10 : memref<128x16xf32, #tpu.memory_space<vmem>>) target(%dma_start3A_56 : memref<10240x16xf32, #tpu.memory_space<vmem_shared>>) offsets(%dma_start3A_53 : memref<128xi32, #tpu.memory_space<vmem>>) semaphore(%run_scoped3A : memref<!tpu.dma_semaphore, #tpu.memory_space<semaphore_mem>>) {add = true}
        %dma_wait3A_57 = arith.constant 0 : i32
        %dma_wait3A_58 = tpu.memref_slice %arg8[%add3A_29, %dma_wait3A_57] : memref<80x128xi32, #tpu.memory_space<vmem>> -> memref<1x128xi32, #tpu.memory_space<vmem>>
        %dma_wait3A_59 = tpu.memref_squeeze %dma_wait3A_58 : memref<1x128xi32, #tpu.memory_space<vmem>> -> memref<128xi32, #tpu.memory_space<vmem>>
        %dma_wait3A_60 = arith.constant 0 : i32
        %dma_wait3A_61 = arith.constant 0 : i32
        %dma_wait3A_62 = tpu.memref_slice %arg11[%dma_wait3A_60, %dma_wait3A_61] : memref<10240x16xf32, #tpu.memory_space<vmem_shared>> -> memref<10240x16xf32, #tpu.memory_space<vmem_shared>>
        tpu.wait_indirect_dma semaphore(%run_scoped3A : memref<!tpu.dma_semaphore, #tpu.memory_space<semaphore_mem>>) src(%arg10 : memref<128x16xf32, #tpu.memory_space<vmem>>) dst(%dma_wait3A_62 : memref<10240x16xf32, #tpu.memory_space<vmem_shared>>)
        tpu.yield
      }) : () -> ()
    }
    %scan3A_19 = arith.constant 40 : i32
    %barrier3A_20 = arith.constant 0 : index
    tpu.barrier barrier_id(%barrier3A_20)
    %mul3A_21 = arith.constant 640 : i32
    %mul3A_22 = arith.muli %arg1, %mul3A_21 : i32
    %mul3A_23 = arith.constant 640 : i32
    %mul3A_24 = arith.muli %arg1, %mul3A_23 : i32
    "tpu.region"() ({
      %run_scoped3A = tpu.sem_alloc : memref<!tpu.dma_semaphore, #tpu.memory_space<semaphore_mem>>
      %dma_start3A_25 = arith.constant 0 : i32
      %dma_start3A_26 = tpu.memref_slice %arg6[%arg0, %mul3A_24, %dma_start3A_25] : memref<2x10240x16xf32, #tpu.memory_space<hbm>> -> memref<1x640x16xf32, #tpu.memory_space<hbm>>
      %dma_start3A_27 = tpu.memref_squeeze %dma_start3A_26 : memref<1x640x16xf32, #tpu.memory_space<hbm>> -> memref<640x16xf32, #tpu.memory_space<hbm>>
      %dma_start3A_28 = arith.constant 0 : i32
      %dma_start3A_29 = tpu.memref_slice %arg11[%mul3A_22, %dma_start3A_28] : memref<10240x16xf32, #tpu.memory_space<vmem_shared>> -> memref<640x16xf32, #tpu.memory_space<vmem_shared>>
      tpu.enqueue_dma source(%dma_start3A_29 : memref<640x16xf32, #tpu.memory_space<vmem_shared>>) target(%dma_start3A_27 : memref<640x16xf32, #tpu.memory_space<hbm>>) target_semaphore(%run_scoped3A : memref<!tpu.dma_semaphore, #tpu.memory_space<semaphore_mem>>)
      %dma_wait3A = arith.constant 0 : i32
      %dma_wait3A_30 = tpu.memref_slice %arg6[%arg0, %mul3A_24, %dma_wait3A] : memref<2x10240x16xf32, #tpu.memory_space<hbm>> -> memref<1x640x16xf32, #tpu.memory_space<hbm>>
      %dma_wait3A_31 = tpu.memref_squeeze %dma_wait3A_30 : memref<1x640x16xf32, #tpu.memory_space<hbm>> -> memref<640x16xf32, #tpu.memory_space<hbm>>
      %dma_wait3A_32 = arith.constant 0 : i32
      %dma_wait3A_33 = tpu.memref_slice %arg11[%mul3A_22, %dma_wait3A_32] : memref<10240x16xf32, #tpu.memory_space<vmem_shared>> -> memref<640x16xf32, #tpu.memory_space<vmem_shared>>
      tpu.wait_dma2 semaphore(%run_scoped3A : memref<!tpu.dma_semaphore, #tpu.memory_space<semaphore_mem>>) src(%dma_wait3A_33 : memref<640x16xf32, #tpu.memory_space<vmem_shared>>) dst(%dma_wait3A_31 : memref<640x16xf32, #tpu.memory_space<hbm>>)
      tpu.yield
    }) : () -> ()
    return
  }
}

#map = affine_map<(d0, d1) -> (0, 0, 0)>
#map1 = affine_map<(d0, d1) -> (0, 0)>
module attributes {stable_mosaic.version = 14 : i64} {
  func.func @_deg(%arg0: i32, %arg1: i32, %arg2: memref<32x80x128xi32, #tpu.memory_space<hbm>>, %arg3: memref<128x16xf32, #tpu.memory_space<hbm>>, %arg4: memref<10240x16xf32, #tpu.memory_space<hbm>>, %arg5: memref<2x10240x16xf32, #tpu.memory_space<hbm>>, %arg6: memref<80x128xi32, #tpu.memory_space<vmem>>, %arg7: memref<128x16xf32, #tpu.memory_space<vmem>>, %arg8: memref<10240x16xf32, #tpu.memory_space<vmem_shared>>) attributes {dimension_semantics = [#tpu.dimension_semantics<core_parallel>, #tpu.dimension_semantics<subcore_parallel>], iteration_bounds = array<i64: 2, 16>, scalar_prefetch = 0 : i64, scratch_operands = 3 : i64, tpu.core_type = #tpu.core_type<sc_vector_subcore>, window_params = [{transform_indices = #map}, {transform_indices = #map1}, {transform_indices = #map1}, {transform_indices = #map}]} {
    %mul3A = arith.constant 2 : i32
    %mul3A_0 = arith.muli %arg1, %mul3A : i32
    %add3A = arith.addi %mul3A_0, %arg0 : i32
    "tpu.region"() ({
      %run_scoped3A = tpu.sem_alloc : memref<!tpu.dma_semaphore, #tpu.memory_space<semaphore_mem>>
      %dma_start3A = arith.constant 0 : i32
      %dma_start3A_15 = arith.constant 0 : i32
      %dma_start3A_16 = tpu.memref_slice %arg2[%add3A, %dma_start3A, %dma_start3A_15] : memref<32x80x128xi32, #tpu.memory_space<hbm>> -> memref<1x80x128xi32, #tpu.memory_space<hbm>>
      %dma_start3A_17 = tpu.memref_squeeze %dma_start3A_16 : memref<1x80x128xi32, #tpu.memory_space<hbm>> -> memref<80x128xi32, #tpu.memory_space<hbm>>
      %dma_start3A_18 = arith.constant 0 : i32
      %dma_start3A_19 = arith.constant 0 : i32
      %dma_start3A_20 = tpu.memref_slice %arg2[%add3A, %dma_start3A_18, %dma_start3A_19] : memref<32x80x128xi32, #tpu.memory_space<hbm>> -> memref<1x80x128xi32, #tpu.memory_space<hbm>>
      %dma_start3A_21 = tpu.memref_squeeze %dma_start3A_20 : memref<1x80x128xi32, #tpu.memory_space<hbm>> -> memref<80x128xi32, #tpu.memory_space<hbm>>
      tpu.enqueue_dma source(%dma_start3A_21 : memref<80x128xi32, #tpu.memory_space<hbm>>) target(%arg6 : memref<80x128xi32, #tpu.memory_space<vmem>>) target_semaphore(%run_scoped3A : memref<!tpu.dma_semaphore, #tpu.memory_space<semaphore_mem>>)
      %dma_wait3A = arith.constant 0 : i32
      %dma_wait3A_22 = arith.constant 0 : i32
      %dma_wait3A_23 = tpu.memref_slice %arg2[%add3A, %dma_wait3A, %dma_wait3A_22] : memref<32x80x128xi32, #tpu.memory_space<hbm>> -> memref<1x80x128xi32, #tpu.memory_space<hbm>>
      %dma_wait3A_24 = tpu.memref_squeeze %dma_wait3A_23 : memref<1x80x128xi32, #tpu.memory_space<hbm>> -> memref<80x128xi32, #tpu.memory_space<hbm>>
      %dma_wait3A_25 = arith.constant 0 : i32
      %dma_wait3A_26 = arith.constant 0 : i32
      %dma_wait3A_27 = tpu.memref_slice %arg2[%add3A, %dma_wait3A_25, %dma_wait3A_26] : memref<32x80x128xi32, #tpu.memory_space<hbm>> -> memref<1x80x128xi32, #tpu.memory_space<hbm>>
      %dma_wait3A_28 = tpu.memref_squeeze %dma_wait3A_27 : memref<1x80x128xi32, #tpu.memory_space<hbm>> -> memref<80x128xi32, #tpu.memory_space<hbm>>
      tpu.wait_dma2 semaphore(%run_scoped3A : memref<!tpu.dma_semaphore, #tpu.memory_space<semaphore_mem>>) src(%dma_wait3A_28 : memref<80x128xi32, #tpu.memory_space<hbm>>) dst(%arg6 : memref<80x128xi32, #tpu.memory_space<vmem>>)
      tpu.yield
    }) : () -> ()
    "tpu.region"() ({
      %run_scoped3A = tpu.sem_alloc : memref<!tpu.dma_semaphore, #tpu.memory_space<semaphore_mem>>
      tpu.enqueue_dma source(%arg3 : memref<128x16xf32, #tpu.memory_space<hbm>>) target(%arg7 : memref<128x16xf32, #tpu.memory_space<vmem>>) target_semaphore(%run_scoped3A : memref<!tpu.dma_semaphore, #tpu.memory_space<semaphore_mem>>)
      tpu.wait_dma2 semaphore(%run_scoped3A : memref<!tpu.dma_semaphore, #tpu.memory_space<semaphore_mem>>) src(%arg3 : memref<128x16xf32, #tpu.memory_space<hbm>>) dst(%arg7 : memref<128x16xf32, #tpu.memory_space<vmem>>)
      tpu.yield
    }) : () -> ()
    %mul3A_1 = arith.constant 640 : i32
    %mul3A_2 = arith.muli %arg1, %mul3A_1 : i32
    %mul3A_3 = arith.constant 640 : i32
    %mul3A_4 = arith.muli %arg1, %mul3A_3 : i32
    "tpu.region"() ({
      %run_scoped3A = tpu.sem_alloc : memref<!tpu.dma_semaphore, #tpu.memory_space<semaphore_mem>>
      %dma_start3A = arith.constant 0 : i32
      %dma_start3A_15 = tpu.memref_slice %arg8[%mul3A_4, %dma_start3A] : memref<10240x16xf32, #tpu.memory_space<vmem_shared>> -> memref<640x16xf32, #tpu.memory_space<vmem_shared>>
      %dma_start3A_16 = arith.constant 0 : i32
      %dma_start3A_17 = tpu.memref_slice %arg4[%mul3A_2, %dma_start3A_16] : memref<10240x16xf32, #tpu.memory_space<hbm>> -> memref<640x16xf32, #tpu.memory_space<hbm>>
      tpu.enqueue_dma source(%dma_start3A_17 : memref<640x16xf32, #tpu.memory_space<hbm>>) target(%dma_start3A_15 : memref<640x16xf32, #tpu.memory_space<vmem_shared>>) target_semaphore(%run_scoped3A : memref<!tpu.dma_semaphore, #tpu.memory_space<semaphore_mem>>)
      %dma_wait3A = arith.constant 0 : i32
      %dma_wait3A_18 = tpu.memref_slice %arg8[%mul3A_4, %dma_wait3A] : memref<10240x16xf32, #tpu.memory_space<vmem_shared>> -> memref<640x16xf32, #tpu.memory_space<vmem_shared>>
      %dma_wait3A_19 = arith.constant 0 : i32
      %dma_wait3A_20 = tpu.memref_slice %arg4[%mul3A_2, %dma_wait3A_19] : memref<10240x16xf32, #tpu.memory_space<hbm>> -> memref<640x16xf32, #tpu.memory_space<hbm>>
      tpu.wait_dma2 semaphore(%run_scoped3A : memref<!tpu.dma_semaphore, #tpu.memory_space<semaphore_mem>>) src(%dma_wait3A_20 : memref<640x16xf32, #tpu.memory_space<hbm>>) dst(%dma_wait3A_18 : memref<640x16xf32, #tpu.memory_space<vmem_shared>>)
      tpu.yield
    }) : () -> ()
    %barrier3A = arith.constant 0 : index
    tpu.barrier barrier_id(%barrier3A)
    %scan3A = arith.constant 0 : i32
    %scan3A_5 = arith.constant 0 : i32
    %scan3A_6 = arith.constant 80 : i32
    %scan3A_7 = arith.addi %scan3A_5, %scan3A_6 : i32
    %scan3A_8 = arith.constant 1 : i32
    scf.for %scan3A_15 = %scan3A_5 to %scan3A_7 step %scan3A_8  : i32 {
      "tpu.region"() ({
        %run_scoped3A = tpu.sem_alloc : memref<!tpu.dma_semaphore, #tpu.memory_space<semaphore_mem>>
        %dma_start3A = arith.constant 0 : i32
        %dma_start3A_16 = tpu.memref_slice %arg6[%scan3A_15, %dma_start3A] : memref<80x128xi32, #tpu.memory_space<vmem>> -> memref<1x128xi32, #tpu.memory_space<vmem>>
        %dma_start3A_17 = tpu.memref_squeeze %dma_start3A_16 : memref<1x128xi32, #tpu.memory_space<vmem>> -> memref<128xi32, #tpu.memory_space<vmem>>
        %dma_start3A_18 = arith.constant 0 : i32
        %dma_start3A_19 = arith.constant 0 : i32
        %dma_start3A_20 = tpu.memref_slice %arg8[%dma_start3A_18, %dma_start3A_19] : memref<10240x16xf32, #tpu.memory_space<vmem_shared>> -> memref<10240x16xf32, #tpu.memory_space<vmem_shared>>
        tpu.enqueue_indirect_dma source(%arg7 : memref<128x16xf32, #tpu.memory_space<vmem>>) target(%dma_start3A_20 : memref<10240x16xf32, #tpu.memory_space<vmem_shared>>) offsets(%dma_start3A_17 : memref<128xi32, #tpu.memory_space<vmem>>) semaphore(%run_scoped3A : memref<!tpu.dma_semaphore, #tpu.memory_space<semaphore_mem>>) {add = true}
        %dma_wait3A = arith.constant 0 : i32
        %dma_wait3A_21 = tpu.memref_slice %arg6[%scan3A_15, %dma_wait3A] : memref<80x128xi32, #tpu.memory_space<vmem>> -> memref<1x128xi32, #tpu.memory_space<vmem>>
        %dma_wait3A_22 = tpu.memref_squeeze %dma_wait3A_21 : memref<1x128xi32, #tpu.memory_space<vmem>> -> memref<128xi32, #tpu.memory_space<vmem>>
        %dma_wait3A_23 = arith.constant 0 : i32
        %dma_wait3A_24 = arith.constant 0 : i32
        %dma_wait3A_25 = tpu.memref_slice %arg8[%dma_wait3A_23, %dma_wait3A_24] : memref<10240x16xf32, #tpu.memory_space<vmem_shared>> -> memref<10240x16xf32, #tpu.memory_space<vmem_shared>>
        tpu.wait_indirect_dma semaphore(%run_scoped3A : memref<!tpu.dma_semaphore, #tpu.memory_space<semaphore_mem>>) src(%arg7 : memref<128x16xf32, #tpu.memory_space<vmem>>) dst(%dma_wait3A_25 : memref<10240x16xf32, #tpu.memory_space<vmem_shared>>)
        tpu.yield
      }) : () -> ()
    }
    %scan3A_9 = arith.constant 80 : i32
    %barrier3A_10 = arith.constant 0 : index
    tpu.barrier barrier_id(%barrier3A_10)
    %mul3A_11 = arith.constant 640 : i32
    %mul3A_12 = arith.muli %arg1, %mul3A_11 : i32
    %mul3A_13 = arith.constant 640 : i32
    %mul3A_14 = arith.muli %arg1, %mul3A_13 : i32
    "tpu.region"() ({
      %run_scoped3A = tpu.sem_alloc : memref<!tpu.dma_semaphore, #tpu.memory_space<semaphore_mem>>
      %dma_start3A = arith.constant 0 : i32
      %dma_start3A_15 = tpu.memref_slice %arg5[%arg0, %mul3A_14, %dma_start3A] : memref<2x10240x16xf32, #tpu.memory_space<hbm>> -> memref<1x640x16xf32, #tpu.memory_space<hbm>>
      %dma_start3A_16 = tpu.memref_squeeze %dma_start3A_15 : memref<1x640x16xf32, #tpu.memory_space<hbm>> -> memref<640x16xf32, #tpu.memory_space<hbm>>
      %dma_start3A_17 = arith.constant 0 : i32
      %dma_start3A_18 = tpu.memref_slice %arg8[%mul3A_12, %dma_start3A_17] : memref<10240x16xf32, #tpu.memory_space<vmem_shared>> -> memref<640x16xf32, #tpu.memory_space<vmem_shared>>
      tpu.enqueue_dma source(%dma_start3A_18 : memref<640x16xf32, #tpu.memory_space<vmem_shared>>) target(%dma_start3A_16 : memref<640x16xf32, #tpu.memory_space<hbm>>) target_semaphore(%run_scoped3A : memref<!tpu.dma_semaphore, #tpu.memory_space<semaphore_mem>>)
      %dma_wait3A = arith.constant 0 : i32
      %dma_wait3A_19 = tpu.memref_slice %arg5[%arg0, %mul3A_14, %dma_wait3A] : memref<2x10240x16xf32, #tpu.memory_space<hbm>> -> memref<1x640x16xf32, #tpu.memory_space<hbm>>
      %dma_wait3A_20 = tpu.memref_squeeze %dma_wait3A_19 : memref<1x640x16xf32, #tpu.memory_space<hbm>> -> memref<640x16xf32, #tpu.memory_space<hbm>>
      %dma_wait3A_21 = arith.constant 0 : i32
      %dma_wait3A_22 = tpu.memref_slice %arg8[%mul3A_12, %dma_wait3A_21] : memref<10240x16xf32, #tpu.memory_space<vmem_shared>> -> memref<640x16xf32, #tpu.memory_space<vmem_shared>>
      tpu.wait_dma2 semaphore(%run_scoped3A : memref<!tpu.dma_semaphore, #tpu.memory_space<semaphore_mem>>) src(%dma_wait3A_22 : memref<640x16xf32, #tpu.memory_space<vmem_shared>>) dst(%dma_wait3A_20 : memref<640x16xf32, #tpu.memory_space<hbm>>)
      tpu.yield
    }) : () -> ()
    return
  }
}

#map = affine_map<(d0, d1) -> (0, 0)>
#map1 = affine_map<(d0, d1) -> (0, 0, 0)>
module attributes {stable_mosaic.version = 14 : i64} {
  func.func @prop(%arg0: i32, %arg1: i32, %arg2: memref<10240x64xf32, #tpu.memory_space<hbm>>, %arg3: memref<10240x64xf32, #tpu.memory_space<hbm>>, %arg4: memref<32x80x128xi32, #tpu.memory_space<hbm>>, %arg5: memref<32x80x128xi32, #tpu.memory_space<hbm>>, %arg6: memref<2x10240x64xf32, #tpu.memory_space<hbm>>, %arg7: memref<80x128xi32, #tpu.memory_space<vmem>>, %arg8: memref<80x128xi32, #tpu.memory_space<vmem>>, %arg9: memref<128x64xf32, #tpu.memory_space<vmem>>, %arg10: memref<128x64xf32, #tpu.memory_space<vmem>>, %arg11: memref<10240x64xf32, #tpu.memory_space<vmem_shared>>, %arg12: memref<10240x64xf32, #tpu.memory_space<vmem_shared>>, %arg13: memref<!tpu.dma_semaphore, #tpu.memory_space<semaphore_mem>>, %arg14: memref<!tpu.dma_semaphore, #tpu.memory_space<semaphore_mem>>) attributes {dimension_semantics = [#tpu.dimension_semantics<core_parallel>, #tpu.dimension_semantics<subcore_parallel>], iteration_bounds = array<i64: 2, 16>, scalar_prefetch = 0 : i64, scratch_operands = 8 : i64, tpu.core_type = #tpu.core_type<sc_vector_subcore>, window_params = [{transform_indices = #map}, {transform_indices = #map}, {transform_indices = #map1}, {transform_indices = #map1}, {transform_indices = #map1}]} {
    %mul3A = arith.constant 2 : i32
    %mul3A_0 = arith.muli %arg1, %mul3A : i32
    %add3A = arith.addi %mul3A_0, %arg0 : i32
    "tpu.region"() ({
      %run_scoped3A = tpu.sem_alloc : memref<!tpu.dma_semaphore, #tpu.memory_space<semaphore_mem>>
      %dma_start3A_25 = arith.constant 0 : i32
      %dma_start3A_26 = arith.constant 0 : i32
      %dma_start3A_27 = tpu.memref_slice %arg4[%add3A, %dma_start3A_25, %dma_start3A_26] : memref<32x80x128xi32, #tpu.memory_space<hbm>> -> memref<1x80x128xi32, #tpu.memory_space<hbm>>
      %dma_start3A_28 = tpu.memref_squeeze %dma_start3A_27 : memref<1x80x128xi32, #tpu.memory_space<hbm>> -> memref<80x128xi32, #tpu.memory_space<hbm>>
      %dma_start3A_29 = arith.constant 0 : i32
      %dma_start3A_30 = arith.constant 0 : i32
      %dma_start3A_31 = tpu.memref_slice %arg4[%add3A, %dma_start3A_29, %dma_start3A_30] : memref<32x80x128xi32, #tpu.memory_space<hbm>> -> memref<1x80x128xi32, #tpu.memory_space<hbm>>
      %dma_start3A_32 = tpu.memref_squeeze %dma_start3A_31 : memref<1x80x128xi32, #tpu.memory_space<hbm>> -> memref<80x128xi32, #tpu.memory_space<hbm>>
      tpu.enqueue_dma source(%dma_start3A_32 : memref<80x128xi32, #tpu.memory_space<hbm>>) target(%arg7 : memref<80x128xi32, #tpu.memory_space<vmem>>) target_semaphore(%run_scoped3A : memref<!tpu.dma_semaphore, #tpu.memory_space<semaphore_mem>>)
      %dma_wait3A = arith.constant 0 : i32
      %dma_wait3A_33 = arith.constant 0 : i32
      %dma_wait3A_34 = tpu.memref_slice %arg4[%add3A, %dma_wait3A, %dma_wait3A_33] : memref<32x80x128xi32, #tpu.memory_space<hbm>> -> memref<1x80x128xi32, #tpu.memory_space<hbm>>
      %dma_wait3A_35 = tpu.memref_squeeze %dma_wait3A_34 : memref<1x80x128xi32, #tpu.memory_space<hbm>> -> memref<80x128xi32, #tpu.memory_space<hbm>>
      %dma_wait3A_36 = arith.constant 0 : i32
      %dma_wait3A_37 = arith.constant 0 : i32
      %dma_wait3A_38 = tpu.memref_slice %arg4[%add3A, %dma_wait3A_36, %dma_wait3A_37] : memref<32x80x128xi32, #tpu.memory_space<hbm>> -> memref<1x80x128xi32, #tpu.memory_space<hbm>>
      %dma_wait3A_39 = tpu.memref_squeeze %dma_wait3A_38 : memref<1x80x128xi32, #tpu.memory_space<hbm>> -> memref<80x128xi32, #tpu.memory_space<hbm>>
      tpu.wait_dma2 semaphore(%run_scoped3A : memref<!tpu.dma_semaphore, #tpu.memory_space<semaphore_mem>>) src(%dma_wait3A_39 : memref<80x128xi32, #tpu.memory_space<hbm>>) dst(%arg7 : memref<80x128xi32, #tpu.memory_space<vmem>>)
      tpu.yield
    }) : () -> ()
    "tpu.region"() ({
      %run_scoped3A = tpu.sem_alloc : memref<!tpu.dma_semaphore, #tpu.memory_space<semaphore_mem>>
      %dma_start3A_25 = arith.constant 0 : i32
      %dma_start3A_26 = arith.constant 0 : i32
      %dma_start3A_27 = tpu.memref_slice %arg5[%add3A, %dma_start3A_25, %dma_start3A_26] : memref<32x80x128xi32, #tpu.memory_space<hbm>> -> memref<1x80x128xi32, #tpu.memory_space<hbm>>
      %dma_start3A_28 = tpu.memref_squeeze %dma_start3A_27 : memref<1x80x128xi32, #tpu.memory_space<hbm>> -> memref<80x128xi32, #tpu.memory_space<hbm>>
      %dma_start3A_29 = arith.constant 0 : i32
      %dma_start3A_30 = arith.constant 0 : i32
      %dma_start3A_31 = tpu.memref_slice %arg5[%add3A, %dma_start3A_29, %dma_start3A_30] : memref<32x80x128xi32, #tpu.memory_space<hbm>> -> memref<1x80x128xi32, #tpu.memory_space<hbm>>
      %dma_start3A_32 = tpu.memref_squeeze %dma_start3A_31 : memref<1x80x128xi32, #tpu.memory_space<hbm>> -> memref<80x128xi32, #tpu.memory_space<hbm>>
      tpu.enqueue_dma source(%dma_start3A_32 : memref<80x128xi32, #tpu.memory_space<hbm>>) target(%arg8 : memref<80x128xi32, #tpu.memory_space<vmem>>) target_semaphore(%run_scoped3A : memref<!tpu.dma_semaphore, #tpu.memory_space<semaphore_mem>>)
      %dma_wait3A = arith.constant 0 : i32
      %dma_wait3A_33 = arith.constant 0 : i32
      %dma_wait3A_34 = tpu.memref_slice %arg5[%add3A, %dma_wait3A, %dma_wait3A_33] : memref<32x80x128xi32, #tpu.memory_space<hbm>> -> memref<1x80x128xi32, #tpu.memory_space<hbm>>
      %dma_wait3A_35 = tpu.memref_squeeze %dma_wait3A_34 : memref<1x80x128xi32, #tpu.memory_space<hbm>> -> memref<80x128xi32, #tpu.memory_space<hbm>>
      %dma_wait3A_36 = arith.constant 0 : i32
      %dma_wait3A_37 = arith.constant 0 : i32
      %dma_wait3A_38 = tpu.memref_slice %arg5[%add3A, %dma_wait3A_36, %dma_wait3A_37] : memref<32x80x128xi32, #tpu.memory_space<hbm>> -> memref<1x80x128xi32, #tpu.memory_space<hbm>>
      %dma_wait3A_39 = tpu.memref_squeeze %dma_wait3A_38 : memref<1x80x128xi32, #tpu.memory_space<hbm>> -> memref<80x128xi32, #tpu.memory_space<hbm>>
      tpu.wait_dma2 semaphore(%run_scoped3A : memref<!tpu.dma_semaphore, #tpu.memory_space<semaphore_mem>>) src(%dma_wait3A_39 : memref<80x128xi32, #tpu.memory_space<hbm>>) dst(%arg8 : memref<80x128xi32, #tpu.memory_space<vmem>>)
      tpu.yield
    }) : () -> ()
    %mul3A_1 = arith.constant 640 : i32
    %mul3A_2 = arith.muli %arg1, %mul3A_1 : i32
    %mul3A_3 = arith.constant 640 : i32
    %mul3A_4 = arith.muli %arg1, %mul3A_3 : i32
    "tpu.region"() ({
      %run_scoped3A = tpu.sem_alloc : memref<!tpu.dma_semaphore, #tpu.memory_space<semaphore_mem>>
      %dma_start3A_25 = arith.constant 0 : i32
      %dma_start3A_26 = tpu.memref_slice %arg11[%mul3A_4, %dma_start3A_25] : memref<10240x64xf32, #tpu.memory_space<vmem_shared>> -> memref<640x64xf32, #tpu.memory_space<vmem_shared>>
      %dma_start3A_27 = arith.constant 0 : i32
      %dma_start3A_28 = tpu.memref_slice %arg3[%mul3A_2, %dma_start3A_27] : memref<10240x64xf32, #tpu.memory_space<hbm>> -> memref<640x64xf32, #tpu.memory_space<hbm>>
      tpu.enqueue_dma source(%dma_start3A_28 : memref<640x64xf32, #tpu.memory_space<hbm>>) target(%dma_start3A_26 : memref<640x64xf32, #tpu.memory_space<vmem_shared>>) target_semaphore(%run_scoped3A : memref<!tpu.dma_semaphore, #tpu.memory_space<semaphore_mem>>)
      %dma_wait3A = arith.constant 0 : i32
      %dma_wait3A_29 = tpu.memref_slice %arg11[%mul3A_4, %dma_wait3A] : memref<10240x64xf32, #tpu.memory_space<vmem_shared>> -> memref<640x64xf32, #tpu.memory_space<vmem_shared>>
      %dma_wait3A_30 = arith.constant 0 : i32
      %dma_wait3A_31 = tpu.memref_slice %arg3[%mul3A_2, %dma_wait3A_30] : memref<10240x64xf32, #tpu.memory_space<hbm>> -> memref<640x64xf32, #tpu.memory_space<hbm>>
      tpu.wait_dma2 semaphore(%run_scoped3A : memref<!tpu.dma_semaphore, #tpu.memory_space<semaphore_mem>>) src(%dma_wait3A_31 : memref<640x64xf32, #tpu.memory_space<hbm>>) dst(%dma_wait3A_29 : memref<640x64xf32, #tpu.memory_space<vmem_shared>>)
      tpu.yield
    }) : () -> ()
    %mul3A_5 = arith.constant 640 : i32
    %mul3A_6 = arith.muli %arg1, %mul3A_5 : i32
    %mul3A_7 = arith.constant 640 : i32
    %mul3A_8 = arith.muli %arg1, %mul3A_7 : i32
    "tpu.region"() ({
      %run_scoped3A = tpu.sem_alloc : memref<!tpu.dma_semaphore, #tpu.memory_space<semaphore_mem>>
      %dma_start3A_25 = arith.constant 0 : i32
      %dma_start3A_26 = tpu.memref_slice %arg12[%mul3A_8, %dma_start3A_25] : memref<10240x64xf32, #tpu.memory_space<vmem_shared>> -> memref<640x64xf32, #tpu.memory_space<vmem_shared>>
      %dma_start3A_27 = arith.constant 0 : i32
      %dma_start3A_28 = tpu.memref_slice %arg2[%mul3A_6, %dma_start3A_27] : memref<10240x64xf32, #tpu.memory_space<hbm>> -> memref<640x64xf32, #tpu.memory_space<hbm>>
      tpu.enqueue_dma source(%dma_start3A_28 : memref<640x64xf32, #tpu.memory_space<hbm>>) target(%dma_start3A_26 : memref<640x64xf32, #tpu.memory_space<vmem_shared>>) target_semaphore(%run_scoped3A : memref<!tpu.dma_semaphore, #tpu.memory_space<semaphore_mem>>)
      %dma_wait3A = arith.constant 0 : i32
      %dma_wait3A_29 = tpu.memref_slice %arg12[%mul3A_8, %dma_wait3A] : memref<10240x64xf32, #tpu.memory_space<vmem_shared>> -> memref<640x64xf32, #tpu.memory_space<vmem_shared>>
      %dma_wait3A_30 = arith.constant 0 : i32
      %dma_wait3A_31 = tpu.memref_slice %arg2[%mul3A_6, %dma_wait3A_30] : memref<10240x64xf32, #tpu.memory_space<hbm>> -> memref<640x64xf32, #tpu.memory_space<hbm>>
      tpu.wait_dma2 semaphore(%run_scoped3A : memref<!tpu.dma_semaphore, #tpu.memory_space<semaphore_mem>>) src(%dma_wait3A_31 : memref<640x64xf32, #tpu.memory_space<hbm>>) dst(%dma_wait3A_29 : memref<640x64xf32, #tpu.memory_space<vmem_shared>>)
      tpu.yield
    }) : () -> ()
    %barrier3A = arith.constant 0 : index
    tpu.barrier barrier_id(%barrier3A)
    %dma_start3A = arith.constant 0 : i32
    %dma_start3A_9 = arith.constant 0 : i32
    %dma_start3A_10 = tpu.memref_slice %arg7[%dma_start3A, %dma_start3A_9] : memref<80x128xi32, #tpu.memory_space<vmem>> -> memref<1x128xi32, #tpu.memory_space<vmem>>
    %dma_start3A_11 = tpu.memref_squeeze %dma_start3A_10 : memref<1x128xi32, #tpu.memory_space<vmem>> -> memref<128xi32, #tpu.memory_space<vmem>>
    %dma_start3A_12 = arith.constant 0 : i32
    %dma_start3A_13 = arith.constant 0 : i32
    %dma_start3A_14 = tpu.memref_slice %arg12[%dma_start3A_12, %dma_start3A_13] : memref<10240x64xf32, #tpu.memory_space<vmem_shared>> -> memref<10240x64xf32, #tpu.memory_space<vmem_shared>>
    tpu.enqueue_indirect_dma source(%dma_start3A_14 : memref<10240x64xf32, #tpu.memory_space<vmem_shared>>) target(%arg9 : memref<128x64xf32, #tpu.memory_space<vmem>>) offsets(%dma_start3A_11 : memref<128xi32, #tpu.memory_space<vmem>>) semaphore(%arg13 : memref<!tpu.dma_semaphore, #tpu.memory_space<semaphore_mem>>)
    %scan3A = arith.constant 0 : i32
    %scan3A_15 = arith.constant 0 : i32
    %scan3A_16 = arith.constant 40 : i32
    %scan3A_17 = arith.addi %scan3A_15, %scan3A_16 : i32
    %scan3A_18 = arith.constant 1 : i32
    scf.for %scan3A_25 = %scan3A_15 to %scan3A_17 step %scan3A_18  : i32 {
      %mul3A_26 = arith.constant 2 : i32
      %mul3A_27 = arith.muli %scan3A_25, %mul3A_26 : i32
      %add3A_28 = arith.constant 1 : i32
      %add3A_29 = arith.addi %mul3A_27, %add3A_28 : i32
      %add3A_30 = arith.constant 2 : i32
      %add3A_31 = arith.addi %mul3A_27, %add3A_30 : i32
      %dma_start3A_32 = arith.constant 0 : i32
      %dma_start3A_33 = tpu.memref_slice %arg7[%add3A_29, %dma_start3A_32] : memref<80x128xi32, #tpu.memory_space<vmem>> -> memref<1x128xi32, #tpu.memory_space<vmem>>
      %dma_start3A_34 = tpu.memref_squeeze %dma_start3A_33 : memref<1x128xi32, #tpu.memory_space<vmem>> -> memref<128xi32, #tpu.memory_space<vmem>>
      %dma_start3A_35 = arith.constant 0 : i32
      %dma_start3A_36 = arith.constant 0 : i32
      %dma_start3A_37 = tpu.memref_slice %arg12[%dma_start3A_35, %dma_start3A_36] : memref<10240x64xf32, #tpu.memory_space<vmem_shared>> -> memref<10240x64xf32, #tpu.memory_space<vmem_shared>>
      tpu.enqueue_indirect_dma source(%dma_start3A_37 : memref<10240x64xf32, #tpu.memory_space<vmem_shared>>) target(%arg10 : memref<128x64xf32, #tpu.memory_space<vmem>>) offsets(%dma_start3A_34 : memref<128xi32, #tpu.memory_space<vmem>>) semaphore(%arg14 : memref<!tpu.dma_semaphore, #tpu.memory_space<semaphore_mem>>)
      %dma_wait3A = arith.constant 0 : i32
      %dma_wait3A_38 = tpu.memref_slice %arg7[%mul3A_27, %dma_wait3A] : memref<80x128xi32, #tpu.memory_space<vmem>> -> memref<1x128xi32, #tpu.memory_space<vmem>>
      %dma_wait3A_39 = tpu.memref_squeeze %dma_wait3A_38 : memref<1x128xi32, #tpu.memory_space<vmem>> -> memref<128xi32, #tpu.memory_space<vmem>>
      %dma_wait3A_40 = arith.constant 0 : i32
      %dma_wait3A_41 = arith.constant 0 : i32
      %dma_wait3A_42 = tpu.memref_slice %arg12[%dma_wait3A_40, %dma_wait3A_41] : memref<10240x64xf32, #tpu.memory_space<vmem_shared>> -> memref<10240x64xf32, #tpu.memory_space<vmem_shared>>
      tpu.wait_indirect_dma semaphore(%arg13 : memref<!tpu.dma_semaphore, #tpu.memory_space<semaphore_mem>>) src(%dma_wait3A_42 : memref<10240x64xf32, #tpu.memory_space<vmem_shared>>) dst(%arg9 : memref<128x64xf32, #tpu.memory_space<vmem>>)
      "tpu.region"() ({
        %run_scoped3A = tpu.sem_alloc : memref<!tpu.dma_semaphore, #tpu.memory_space<semaphore_mem>>
        %dma_start3A_51 = arith.constant 0 : i32
        %dma_start3A_52 = tpu.memref_slice %arg8[%mul3A_27, %dma_start3A_51] : memref<80x128xi32, #tpu.memory_space<vmem>> -> memref<1x128xi32, #tpu.memory_space<vmem>>
        %dma_start3A_53 = tpu.memref_squeeze %dma_start3A_52 : memref<1x128xi32, #tpu.memory_space<vmem>> -> memref<128xi32, #tpu.memory_space<vmem>>
        %dma_start3A_54 = arith.constant 0 : i32
        %dma_start3A_55 = arith.constant 0 : i32
        %dma_start3A_56 = tpu.memref_slice %arg11[%dma_start3A_54, %dma_start3A_55] : memref<10240x64xf32, #tpu.memory_space<vmem_shared>> -> memref<10240x64xf32, #tpu.memory_space<vmem_shared>>
        tpu.enqueue_indirect_dma source(%arg9 : memref<128x64xf32, #tpu.memory_space<vmem>>) target(%dma_start3A_56 : memref<10240x64xf32, #tpu.memory_space<vmem_shared>>) offsets(%dma_start3A_53 : memref<128xi32, #tpu.memory_space<vmem>>) semaphore(%run_scoped3A : memref<!tpu.dma_semaphore, #tpu.memory_space<semaphore_mem>>) {add = true}
        %dma_wait3A_57 = arith.constant 0 : i32
        %dma_wait3A_58 = tpu.memref_slice %arg8[%mul3A_27, %dma_wait3A_57] : memref<80x128xi32, #tpu.memory_space<vmem>> -> memref<1x128xi32, #tpu.memory_space<vmem>>
        %dma_wait3A_59 = tpu.memref_squeeze %dma_wait3A_58 : memref<1x128xi32, #tpu.memory_space<vmem>> -> memref<128xi32, #tpu.memory_space<vmem>>
        %dma_wait3A_60 = arith.constant 0 : i32
        %dma_wait3A_61 = arith.constant 0 : i32
        %dma_wait3A_62 = tpu.memref_slice %arg11[%dma_wait3A_60, %dma_wait3A_61] : memref<10240x64xf32, #tpu.memory_space<vmem_shared>> -> memref<10240x64xf32, #tpu.memory_space<vmem_shared>>
        tpu.wait_indirect_dma semaphore(%run_scoped3A : memref<!tpu.dma_semaphore, #tpu.memory_space<semaphore_mem>>) src(%arg9 : memref<128x64xf32, #tpu.memory_space<vmem>>) dst(%dma_wait3A_62 : memref<10240x64xf32, #tpu.memory_space<vmem_shared>>)
        tpu.yield
      }) : () -> ()
      %lt3A = arith.constant 80 : i32
      %lt3A_43 = arith.cmpi slt, %add3A_31, %lt3A : i32
      %convert_element_type3A = arith.extui %lt3A_43 : i1 to i32
      %cond3A = arith.constant 0 : i32
      %cond3A_44 = arith.cmpi ne, %convert_element_type3A, %cond3A : i32
      scf.if %cond3A_44 {
        %dma_start3A_51 = arith.constant 0 : i32
        %dma_start3A_52 = tpu.memref_slice %arg7[%add3A_31, %dma_start3A_51] : memref<80x128xi32, #tpu.memory_space<vmem>> -> memref<1x128xi32, #tpu.memory_space<vmem>>
        %dma_start3A_53 = tpu.memref_squeeze %dma_start3A_52 : memref<1x128xi32, #tpu.memory_space<vmem>> -> memref<128xi32, #tpu.memory_space<vmem>>
        %dma_start3A_54 = arith.constant 0 : i32
        %dma_start3A_55 = arith.constant 0 : i32
        %dma_start3A_56 = tpu.memref_slice %arg12[%dma_start3A_54, %dma_start3A_55] : memref<10240x64xf32, #tpu.memory_space<vmem_shared>> -> memref<10240x64xf32, #tpu.memory_space<vmem_shared>>
        tpu.enqueue_indirect_dma source(%dma_start3A_56 : memref<10240x64xf32, #tpu.memory_space<vmem_shared>>) target(%arg9 : memref<128x64xf32, #tpu.memory_space<vmem>>) offsets(%dma_start3A_53 : memref<128xi32, #tpu.memory_space<vmem>>) semaphore(%arg13 : memref<!tpu.dma_semaphore, #tpu.memory_space<semaphore_mem>>)
      } else {
      }
      %dma_wait3A_45 = arith.constant 0 : i32
      %dma_wait3A_46 = tpu.memref_slice %arg7[%add3A_29, %dma_wait3A_45] : memref<80x128xi32, #tpu.memory_space<vmem>> -> memref<1x128xi32, #tpu.memory_space<vmem>>
      %dma_wait3A_47 = tpu.memref_squeeze %dma_wait3A_46 : memref<1x128xi32, #tpu.memory_space<vmem>> -> memref<128xi32, #tpu.memory_space<vmem>>
      %dma_wait3A_48 = arith.constant 0 : i32
      %dma_wait3A_49 = arith.constant 0 : i32
      %dma_wait3A_50 = tpu.memref_slice %arg12[%dma_wait3A_48, %dma_wait3A_49] : memref<10240x64xf32, #tpu.memory_space<vmem_shared>> -> memref<10240x64xf32, #tpu.memory_space<vmem_shared>>
      tpu.wait_indirect_dma semaphore(%arg14 : memref<!tpu.dma_semaphore, #tpu.memory_space<semaphore_mem>>) src(%dma_wait3A_50 : memref<10240x64xf32, #tpu.memory_space<vmem_shared>>) dst(%arg10 : memref<128x64xf32, #tpu.memory_space<vmem>>)
      "tpu.region"() ({
        %run_scoped3A = tpu.sem_alloc : memref<!tpu.dma_semaphore, #tpu.memory_space<semaphore_mem>>
        %dma_start3A_51 = arith.constant 0 : i32
        %dma_start3A_52 = tpu.memref_slice %arg8[%add3A_29, %dma_start3A_51] : memref<80x128xi32, #tpu.memory_space<vmem>> -> memref<1x128xi32, #tpu.memory_space<vmem>>
        %dma_start3A_53 = tpu.memref_squeeze %dma_start3A_52 : memref<1x128xi32, #tpu.memory_space<vmem>> -> memref<128xi32, #tpu.memory_space<vmem>>
        %dma_start3A_54 = arith.constant 0 : i32
        %dma_start3A_55 = arith.constant 0 : i32
        %dma_start3A_56 = tpu.memref_slice %arg11[%dma_start3A_54, %dma_start3A_55] : memref<10240x64xf32, #tpu.memory_space<vmem_shared>> -> memref<10240x64xf32, #tpu.memory_space<vmem_shared>>
        tpu.enqueue_indirect_dma source(%arg10 : memref<128x64xf32, #tpu.memory_space<vmem>>) target(%dma_start3A_56 : memref<10240x64xf32, #tpu.memory_space<vmem_shared>>) offsets(%dma_start3A_53 : memref<128xi32, #tpu.memory_space<vmem>>) semaphore(%run_scoped3A : memref<!tpu.dma_semaphore, #tpu.memory_space<semaphore_mem>>) {add = true}
        %dma_wait3A_57 = arith.constant 0 : i32
        %dma_wait3A_58 = tpu.memref_slice %arg8[%add3A_29, %dma_wait3A_57] : memref<80x128xi32, #tpu.memory_space<vmem>> -> memref<1x128xi32, #tpu.memory_space<vmem>>
        %dma_wait3A_59 = tpu.memref_squeeze %dma_wait3A_58 : memref<1x128xi32, #tpu.memory_space<vmem>> -> memref<128xi32, #tpu.memory_space<vmem>>
        %dma_wait3A_60 = arith.constant 0 : i32
        %dma_wait3A_61 = arith.constant 0 : i32
        %dma_wait3A_62 = tpu.memref_slice %arg11[%dma_wait3A_60, %dma_wait3A_61] : memref<10240x64xf32, #tpu.memory_space<vmem_shared>> -> memref<10240x64xf32, #tpu.memory_space<vmem_shared>>
        tpu.wait_indirect_dma semaphore(%run_scoped3A : memref<!tpu.dma_semaphore, #tpu.memory_space<semaphore_mem>>) src(%arg10 : memref<128x64xf32, #tpu.memory_space<vmem>>) dst(%dma_wait3A_62 : memref<10240x64xf32, #tpu.memory_space<vmem_shared>>)
        tpu.yield
      }) : () -> ()
    }
    %scan3A_19 = arith.constant 40 : i32
    %barrier3A_20 = arith.constant 0 : index
    tpu.barrier barrier_id(%barrier3A_20)
    %mul3A_21 = arith.constant 640 : i32
    %mul3A_22 = arith.muli %arg1, %mul3A_21 : i32
    %mul3A_23 = arith.constant 640 : i32
    %mul3A_24 = arith.muli %arg1, %mul3A_23 : i32
    "tpu.region"() ({
      %run_scoped3A = tpu.sem_alloc : memref<!tpu.dma_semaphore, #tpu.memory_space<semaphore_mem>>
      %dma_start3A_25 = arith.constant 0 : i32
      %dma_start3A_26 = tpu.memref_slice %arg6[%arg0, %mul3A_24, %dma_start3A_25] : memref<2x10240x64xf32, #tpu.memory_space<hbm>> -> memref<1x640x64xf32, #tpu.memory_space<hbm>>
      %dma_start3A_27 = tpu.memref_squeeze %dma_start3A_26 : memref<1x640x64xf32, #tpu.memory_space<hbm>> -> memref<640x64xf32, #tpu.memory_space<hbm>>
      %dma_start3A_28 = arith.constant 0 : i32
      %dma_start3A_29 = tpu.memref_slice %arg11[%mul3A_22, %dma_start3A_28] : memref<10240x64xf32, #tpu.memory_space<vmem_shared>> -> memref<640x64xf32, #tpu.memory_space<vmem_shared>>
      tpu.enqueue_dma source(%dma_start3A_29 : memref<640x64xf32, #tpu.memory_space<vmem_shared>>) target(%dma_start3A_27 : memref<640x64xf32, #tpu.memory_space<hbm>>) target_semaphore(%run_scoped3A : memref<!tpu.dma_semaphore, #tpu.memory_space<semaphore_mem>>)
      %dma_wait3A = arith.constant 0 : i32
      %dma_wait3A_30 = tpu.memref_slice %arg6[%arg0, %mul3A_24, %dma_wait3A] : memref<2x10240x64xf32, #tpu.memory_space<hbm>> -> memref<1x640x64xf32, #tpu.memory_space<hbm>>
      %dma_wait3A_31 = tpu.memref_squeeze %dma_wait3A_30 : memref<1x640x64xf32, #tpu.memory_space<hbm>> -> memref<640x64xf32, #tpu.memory_space<hbm>>
      %dma_wait3A_32 = arith.constant 0 : i32
      %dma_wait3A_33 = tpu.memref_slice %arg11[%mul3A_22, %dma_wait3A_32] : memref<10240x64xf32, #tpu.memory_space<vmem_shared>> -> memref<640x64xf32, #tpu.memory_space<vmem_shared>>
      tpu.wait_dma2 semaphore(%run_scoped3A : memref<!tpu.dma_semaphore, #tpu.memory_space<semaphore_mem>>) src(%dma_wait3A_33 : memref<640x64xf32, #tpu.memory_space<vmem_shared>>) dst(%dma_wait3A_31 : memref<640x64xf32, #tpu.memory_space<hbm>>)
      tpu.yield
    }) : () -> ()
    return
  }
}

module attributes {stable_mosaic.version = 14 : i64} {
  func.func @_mm1_body(%arg0: i32, %arg1: memref<1000x128xf32, #tpu.memory_space<vmem>>, %arg2: memref<128x64xf32, #tpu.memory_space<vmem>>, %arg3: memref<1x1000x16xf32, #tpu.memory_space<vmem>>, %arg4: memref<1x1000x16xf32, #tpu.memory_space<vmem>>, %arg5: memref<1000x64xf32, #tpu.memory_space<vmem>>, %arg6: memref<1000x1xf32, #tpu.memory_space<vmem>>) attributes {dimension_semantics = [#tpu.dimension_semantics<arbitrary>], iteration_bounds = array<i64: 10>, scalar_prefetch = 0 : i64, scratch_operands = 0 : i64, tpu.core_type = #tpu.core_type<tc>, window_params = [{transform_indices = @transform_0, window_bounds = array<i64: 1000, 128>}, {pipeline_mode = #tpu.pipeline_mode<synchronous>, transform_indices = @transform_1, window_bounds = array<i64: 128, 64>}, {transform_indices = @transform_2, window_bounds = array<i64: 1, 1000, 16>}, {transform_indices = @transform_3, window_bounds = array<i64: 1, 1000, 16>}, {transform_indices = @transform_4, window_bounds = array<i64: 1000, 64>}, {transform_indices = @transform_5, window_bounds = array<i64: 1000, 1>}]} {
    %get3A = arith.constant 0 : index
    %get3A_0 = arith.constant 0 : index
    %get3A_1 = arith.constant 0 : index
    %get3A_2 = vector.load %arg3[%get3A, %get3A_0, %get3A_1] : memref<1x1000x16xf32, #tpu.memory_space<vmem>>, vector<1x1000x1xf32>
    %get3A_3 = vector.shape_cast %get3A_2 : vector<1x1000x1xf32> to vector<1000x1xf32>
    %get3A_4 = arith.constant 0 : index
    %get3A_5 = arith.constant 0 : index
    %get3A_6 = arith.constant 0 : index
    %get3A_7 = vector.load %arg4[%get3A_4, %get3A_5, %get3A_6] : memref<1x1000x16xf32, #tpu.memory_space<vmem>>, vector<1x1000x1xf32>
    %get3A_8 = vector.shape_cast %get3A_7 : vector<1x1000x1xf32> to vector<1000x1xf32>
    %add3A = arith.addf %get3A_3, %get3A_8 : vector<1000x1xf32>
    %add3A_9 = arith.constant 1.000000e+00 : f32
    %add3A_10 = vector.broadcast %add3A_9 : f32 to vector<1000x1xf32>
    %add3A_11 = arith.addf %add3A, %add3A_10 : vector<1000x1xf32>
    %rsqrt3A = math.rsqrt %add3A_11 : vector<1000x1xf32>
    %get3A_12 = arith.constant 0 : index
    %get3A_13 = arith.constant 0 : index
    %get3A_14 = vector.load %arg1[%get3A_12, %get3A_13] : memref<1000x128xf32, #tpu.memory_space<vmem>>, vector<1000x128xf32>
    %get3A_15 = arith.constant 0 : index
    %get3A_16 = arith.constant 0 : index
    %get3A_17 = vector.load %arg2[%get3A_15, %get3A_16] : memref<128x64xf32, #tpu.memory_space<vmem>>, vector<128x64xf32>
    %dot_general3A = arith.constant dense<0.000000e+00> : vector<1000x64xf32>
    %dot_general3A_18 = tpu.matmul %get3A_14, %get3A_17, %dot_general3A {dimension_numbers = #tpu.dot_dimension_numbers<[1], [0], [0], [1], [0, 0, 1, 1], [], []>, transpose_lhs_hint = false} : vector<1000x128xf32>, vector<128x64xf32>, vector<1000x64xf32> -> vector<1000x64xf32>
    %mul3A = vector.broadcast %rsqrt3A : vector<1000x1xf32> to vector<1000x64xf32>
    %mul3A_19 = arith.mulf %dot_general3A_18, %mul3A : vector<1000x64xf32>
    %swap3A = arith.constant 0 : index
    %swap3A_20 = arith.constant 0 : index
    %swap3A_21 = vector.load %arg5[%swap3A, %swap3A_20] : memref<1000x64xf32, #tpu.memory_space<vmem>>, vector<1000x64xf32>
    tpu.vector_store %arg5[%swap3A, %swap3A_20], %mul3A_19 {strides = array<i32>} : memref<1000x64xf32, #tpu.memory_space<vmem>>, vector<1000x64xf32>,
    %swap3A_22 = arith.constant 0 : index
    %swap3A_23 = arith.constant 0 : index
    %swap3A_24 = vector.load %arg6[%swap3A_22, %swap3A_23] : memref<1000x1xf32, #tpu.memory_space<vmem>>, vector<1000x1xf32>
    tpu.vector_store %arg6[%swap3A_22, %swap3A_23], %rsqrt3A {strides = array<i32>} : memref<1000x1xf32, #tpu.memory_space<vmem>>, vector<1000x1xf32>,
    return
  }
  func.func @transform_0(%arg0: i32) -> (i32, i32) {
    %c0_i32 = arith.constant 0 : i32
    %c0_i32_0 = arith.constant 0 : i32
    return %arg0, %c0_i32 : i32, i32
  }
  func.func @transform_1(%arg0: i32) -> (i32, i32) {
    %c0_i32 = arith.constant 0 : i32
    %c0_i32_0 = arith.constant 0 : i32
    %c0_i32_1 = arith.constant 0 : i32
    return %c0_i32, %c0_i32_0 : i32, i32
  }
  func.func @transform_2(%arg0: i32) -> (i32, i32, i32) {
    %c0_i32 = arith.constant 0 : i32
    %c0_i32_0 = arith.constant 0 : i32
    %c0_i32_1 = arith.constant 0 : i32
    return %c0_i32, %arg0, %c0_i32_0 : i32, i32, i32
  }
  func.func @transform_3(%arg0: i32) -> (i32, i32, i32) {
    %c1_i32 = arith.constant 1 : i32
    %c0_i32 = arith.constant 0 : i32
    %c0_i32_0 = arith.constant 0 : i32
    return %c1_i32, %arg0, %c0_i32 : i32, i32, i32
  }
  func.func @transform_4(%arg0: i32) -> (i32, i32) {
    %c0_i32 = arith.constant 0 : i32
    %c0_i32_0 = arith.constant 0 : i32
    return %arg0, %c0_i32 : i32, i32
  }
  func.func @transform_5(%arg0: i32) -> (i32, i32) {
    %c0_i32 = arith.constant 0 : i32
    %c0_i32_0 = arith.constant 0 : i32
    return %arg0, %c0_i32 : i32, i32
  }
}

module attributes {stable_mosaic.version = 14 : i64} {
  func.func @_mm2_body(%arg0: i32, %arg1: memref<1x1000x64xf32, #tpu.memory_space<vmem>>, %arg2: memref<1x1000x64xf32, #tpu.memory_space<vmem>>, %arg3: memref<1000x64xf32, #tpu.memory_space<vmem>>, %arg4: memref<1000x1xf32, #tpu.memory_space<vmem>>, %arg5: memref<1x64xf32, #tpu.memory_space<vmem>>, %arg6: memref<64x16xf32, #tpu.memory_space<vmem>>, %arg7: memref<1000x16xf32, #tpu.memory_space<vmem>>) attributes {dimension_semantics = [#tpu.dimension_semantics<arbitrary>], iteration_bounds = array<i64: 10>, scalar_prefetch = 0 : i64, scratch_operands = 0 : i64, tpu.core_type = #tpu.core_type<tc>, window_params = [{transform_indices = @transform_0, window_bounds = array<i64: 1, 1000, 64>}, {transform_indices = @transform_1, window_bounds = array<i64: 1, 1000, 64>}, {transform_indices = @transform_2, window_bounds = array<i64: 1000, 64>}, {transform_indices = @transform_3, window_bounds = array<i64: 1000, 1>}, {pipeline_mode = #tpu.pipeline_mode<synchronous>, transform_indices = @transform_4, window_bounds = array<i64: 1, 64>}, {pipeline_mode = #tpu.pipeline_mode<synchronous>, transform_indices = @transform_5, window_bounds = array<i64: 64, 16>}, {transform_indices = @transform_6, window_bounds = array<i64: 1000, 16>}]} {
    %get3A = arith.constant 0 : index
    %get3A_0 = arith.constant 0 : index
    %get3A_1 = vector.load %arg4[%get3A, %get3A_0] : memref<1000x1xf32, #tpu.memory_space<vmem>>, vector<1000x1xf32>
    %get3A_2 = arith.constant 0 : index
    %get3A_3 = arith.constant 0 : index
    %get3A_4 = arith.constant 0 : index
    %get3A_5 = vector.load %arg1[%get3A_2, %get3A_3, %get3A_4] : memref<1x1000x64xf32, #tpu.memory_space<vmem>>, vector<1x1000x64xf32>
    %get3A_6 = vector.shape_cast %get3A_5 : vector<1x1000x64xf32> to vector<1000x64xf32>
    %get3A_7 = arith.constant 0 : index
    %get3A_8 = arith.constant 0 : index
    %get3A_9 = arith.constant 0 : index
    %get3A_10 = vector.load %arg2[%get3A_7, %get3A_8, %get3A_9] : memref<1x1000x64xf32, #tpu.memory_space<vmem>>, vector<1x1000x64xf32>
    %get3A_11 = vector.shape_cast %get3A_10 : vector<1x1000x64xf32> to vector<1000x64xf32>
    %add3A = arith.addf %get3A_6, %get3A_11 : vector<1000x64xf32>
    %get3A_12 = arith.constant 0 : index
    %get3A_13 = arith.constant 0 : index
    %get3A_14 = vector.load %arg3[%get3A_12, %get3A_13] : memref<1000x64xf32, #tpu.memory_space<vmem>>, vector<1000x64xf32>
    %add3A_15 = arith.addf %add3A, %get3A_14 : vector<1000x64xf32>
    %mul3A = vector.broadcast %get3A_1 : vector<1000x1xf32> to vector<1000x64xf32>
    %mul3A_16 = arith.mulf %mul3A, %add3A_15 : vector<1000x64xf32>
    %get3A_17 = arith.constant 0 : index
    %get3A_18 = arith.constant 0 : index
    %get3A_19 = vector.load %arg5[%get3A_17, %get3A_18] : memref<1x64xf32, #tpu.memory_space<vmem>>, vector<1x64xf32>
    %add3A_20 = vector.broadcast %get3A_19 : vector<1x64xf32> to vector<1000x64xf32>
    %add3A_21 = arith.addf %mul3A_16, %add3A_20 : vector<1000x64xf32>
    %max3A = arith.constant 0.000000e+00 : f32
    %max3A_22 = vector.broadcast %max3A : f32 to vector<1000x64xf32>
    %max3A_23 = arith.maximumf %add3A_21, %max3A_22 : vector<1000x64xf32>
    %get3A_24 = arith.constant 0 : index
    %get3A_25 = arith.constant 0 : index
    %get3A_26 = vector.load %arg6[%get3A_24, %get3A_25] : memref<64x16xf32, #tpu.memory_space<vmem>>, vector<64x16xf32>
    %dot_general3A = arith.constant dense<0.000000e+00> : vector<1000x16xf32>
    %dot_general3A_27 = tpu.matmul %max3A_23, %get3A_26, %dot_general3A {dimension_numbers = #tpu.dot_dimension_numbers<[1], [0], [0], [1], [0, 0, 1, 1], [], []>, transpose_lhs_hint = false} : vector<1000x64xf32>, vector<64x16xf32>, vector<1000x16xf32> -> vector<1000x16xf32>
    %mul3A_28 = vector.broadcast %get3A_1 : vector<1000x1xf32> to vector<1000x16xf32>
    %mul3A_29 = arith.mulf %dot_general3A_27, %mul3A_28 : vector<1000x16xf32>
    %swap3A = arith.constant 0 : index
    %swap3A_30 = arith.constant 0 : index
    %swap3A_31 = vector.load %arg7[%swap3A, %swap3A_30] : memref<1000x16xf32, #tpu.memory_space<vmem>>, vector<1000x16xf32>
    tpu.vector_store %arg7[%swap3A, %swap3A_30], %mul3A_29 {strides = array<i32>} : memref<1000x16xf32, #tpu.memory_space<vmem>>, vector<1000x16xf32>,
    return
  }
  func.func @transform_0(%arg0: i32) -> (i32, i32, i32) {
    %c0_i32 = arith.constant 0 : i32
    %c0_i32_0 = arith.constant 0 : i32
    %c0_i32_1 = arith.constant 0 : i32
    return %c0_i32, %arg0, %c0_i32_0 : i32, i32, i32
  }
  func.func @transform_1(%arg0: i32) -> (i32, i32, i32) {
    %c1_i32 = arith.constant 1 : i32
    %c0_i32 = arith.constant 0 : i32
    %c0_i32_0 = arith.constant 0 : i32
    return %c1_i32, %arg0, %c0_i32 : i32, i32, i32
  }
  func.func @transform_2(%arg0: i32) -> (i32, i32) {
    %c0_i32 = arith.constant 0 : i32
    %c0_i32_0 = arith.constant 0 : i32
    return %arg0, %c0_i32 : i32, i32
  }
  func.func @transform_3(%arg0: i32) -> (i32, i32) {
    %c0_i32 = arith.constant 0 : i32
    %c0_i32_0 = arith.constant 0 : i32
    return %arg0, %c0_i32 : i32, i32
  }
  func.func @transform_4(%arg0: i32) -> (i32, i32) {
    %c0_i32 = arith.constant 0 : i32
    %c0_i32_0 = arith.constant 0 : i32
    %c0_i32_1 = arith.constant 0 : i32
    return %c0_i32, %c0_i32_0 : i32, i32
  }
  func.func @transform_5(%arg0: i32) -> (i32, i32) {
    %c0_i32 = arith.constant 0 : i32
    %c0_i32_0 = arith.constant 0 : i32
    %c0_i32_1 = arith.constant 0 : i32
    return %c0_i32, %c0_i32_0 : i32, i32
  }
  func.func @transform_6(%arg0: i32) -> (i32, i32) {
    %c0_i32 = arith.constant 0 : i32
    %c0_i32_0 = arith.constant 0 : i32
    return %arg0, %c0_i32 : i32, i32
  }
}

module attributes {stable_mosaic.version = 14 : i64} {
  func.func @_final_body(%arg0: i32, %arg1: memref<1x1000x16xf32, #tpu.memory_space<vmem>>, %arg2: memref<1x1000x16xf32, #tpu.memory_space<vmem>>, %arg3: memref<1000x16xf32, #tpu.memory_space<vmem>>, %arg4: memref<1000x1xf32, #tpu.memory_space<vmem>>, %arg5: memref<1x16xf32, #tpu.memory_space<vmem>>, %arg6: memref<1000x16xf32, #tpu.memory_space<vmem>>) attributes {dimension_semantics = [#tpu.dimension_semantics<arbitrary>], iteration_bounds = array<i64: 10>, scalar_prefetch = 0 : i64, scratch_operands = 0 : i64, tpu.core_type = #tpu.core_type<tc>, window_params = [{transform_indices = @transform_0, window_bounds = array<i64: 1, 1000, 16>}, {transform_indices = @transform_1, window_bounds = array<i64: 1, 1000, 16>}, {transform_indices = @transform_2, window_bounds = array<i64: 1000, 16>}, {transform_indices = @transform_3, window_bounds = array<i64: 1000, 1>}, {pipeline_mode = #tpu.pipeline_mode<synchronous>, transform_indices = @transform_4, window_bounds = array<i64: 1, 16>}, {transform_indices = @transform_5, window_bounds = array<i64: 1000, 16>}]} {
    %get3A = arith.constant 0 : index
    %get3A_0 = arith.constant 0 : index
    %get3A_1 = vector.load %arg4[%get3A, %get3A_0] : memref<1000x1xf32, #tpu.memory_space<vmem>>, vector<1000x1xf32>
    %get3A_2 = arith.constant 0 : index
    %get3A_3 = arith.constant 0 : index
    %get3A_4 = arith.constant 0 : index
    %get3A_5 = vector.load %arg1[%get3A_2, %get3A_3, %get3A_4] : memref<1x1000x16xf32, #tpu.memory_space<vmem>>, vector<1x1000x16xf32>
    %get3A_6 = vector.shape_cast %get3A_5 : vector<1x1000x16xf32> to vector<1000x16xf32>
    %get3A_7 = arith.constant 0 : index
    %get3A_8 = arith.constant 0 : index
    %get3A_9 = arith.constant 0 : index
    %get3A_10 = vector.load %arg2[%get3A_7, %get3A_8, %get3A_9] : memref<1x1000x16xf32, #tpu.memory_space<vmem>>, vector<1x1000x16xf32>
    %get3A_11 = vector.shape_cast %get3A_10 : vector<1x1000x16xf32> to vector<1000x16xf32>
    %add3A = arith.addf %get3A_6, %get3A_11 : vector<1000x16xf32>
    %get3A_12 = arith.constant 0 : index
    %get3A_13 = arith.constant 0 : index
    %get3A_14 = vector.load %arg3[%get3A_12, %get3A_13] : memref<1000x16xf32, #tpu.memory_space<vmem>>, vector<1000x16xf32>
    %add3A_15 = arith.addf %add3A, %get3A_14 : vector<1000x16xf32>
    %mul3A = vector.broadcast %get3A_1 : vector<1000x1xf32> to vector<1000x16xf32>
    %mul3A_16 = arith.mulf %mul3A, %add3A_15 : vector<1000x16xf32>
    %get3A_17 = arith.constant 0 : index
    %get3A_18 = arith.constant 0 : index
    %get3A_19 = vector.load %arg5[%get3A_17, %get3A_18] : memref<1x16xf32, #tpu.memory_space<vmem>>, vector<1x16xf32>
    %add3A_20 = vector.broadcast %get3A_19 : vector<1x16xf32> to vector<1000x16xf32>
    %add3A_21 = arith.addf %mul3A_16, %add3A_20 : vector<1000x16xf32>
    %reduce_max3A = arith.constant dense<0xFF800000> : vector<1000xf32>
    %reduce_max3A_22 = vector.multi_reduction <maximumf>, %add3A_21, %reduce_max3A [1] : vector<1000x16xf32> to vector<1000xf32>
    %broadcast_in_dim3A = vector.shape_cast %reduce_max3A_22 : vector<1000xf32> to vector<1000x1xf32>
    %sub3A = vector.broadcast %broadcast_in_dim3A : vector<1000x1xf32> to vector<1000x16xf32>
    %sub3A_23 = arith.subf %add3A_21, %sub3A : vector<1000x16xf32>
    %exp3A = math.exp %sub3A_23 : vector<1000x16xf32>
    %reduce_sum3A = arith.constant dense<0.000000e+00> : vector<1000xf32>
    %reduce_sum3A_24 = vector.multi_reduction <add>, %exp3A, %reduce_sum3A [1] : vector<1000x16xf32> to vector<1000xf32>
    %broadcast_in_dim3A_25 = vector.shape_cast %reduce_sum3A_24 : vector<1000xf32> to vector<1000x1xf32>
    %log3A = math.log %broadcast_in_dim3A_25 : vector<1000x1xf32>
    %add3A_26 = arith.addf %log3A, %broadcast_in_dim3A : vector<1000x1xf32>
    %sub3A_27 = vector.broadcast %add3A_26 : vector<1000x1xf32> to vector<1000x16xf32>
    %sub3A_28 = arith.subf %add3A_21, %sub3A_27 : vector<1000x16xf32>
    %swap3A = arith.constant 0 : index
    %swap3A_29 = arith.constant 0 : index
    %swap3A_30 = vector.load %arg6[%swap3A, %swap3A_29] : memref<1000x16xf32, #tpu.memory_space<vmem>>, vector<1000x16xf32>
    tpu.vector_store %arg6[%swap3A, %swap3A_29], %sub3A_28 {strides = array<i32>} : memref<1000x16xf32, #tpu.memory_space<vmem>>, vector<1000x16xf32>,
    return
  }
  func.func @transform_0(%arg0: i32) -> (i32, i32, i32) {
    %c0_i32 = arith.constant 0 : i32
    %c0_i32_0 = arith.constant 0 : i32
    %c0_i32_1 = arith.constant 0 : i32
    return %c0_i32, %arg0, %c0_i32_0 : i32, i32, i32
  }
  func.func @transform_1(%arg0: i32) -> (i32, i32, i32) {
    %c1_i32 = arith.constant 1 : i32
    %c0_i32 = arith.constant 0 : i32
    %c0_i32_0 = arith.constant 0 : i32
    return %c1_i32, %arg0, %c0_i32 : i32, i32, i32
  }
  func.func @transform_2(%arg0: i32) -> (i32, i32) {
    %c0_i32 = arith.constant 0 : i32
    %c0_i32_0 = arith.constant 0 : i32
    return %arg0, %c0_i32 : i32, i32
  }
  func.func @transform_3(%arg0: i32) -> (i32, i32) {
    %c0_i32 = arith.constant 0 : i32
    %c0_i32_0 = arith.constant 0 : i32
    return %arg0, %c0_i32 : i32, i32
  }
  func.func @transform_4(%arg0: i32) -> (i32, i32) {
    %c0_i32 = arith.constant 0 : i32
    %c0_i32_0 = arith.constant 0 : i32
    %c0_i32_1 = arith.constant 0 : i32
    return %c0_i32, %c0_i32_0 : i32, i32
  }
  func.func @transform_5(%arg0: i32) -> (i32, i32) {
    %c0_i32 = arith.constant 0 : i32
    %c0_i32_0 = arith.constant 0 : i32
    return %arg0, %c0_i32 : i32, i32
  }
}

</mosaic_0001>

<sc_bundles>
// kernel: kernel.11.cloned.1.call-start
scs
__scs_entry_jumppad:
0x0: {  	(pc) =	sbr.rel $0x88, $3  }
0x1: {  	(tag) =	ssettag $0x0;
	lr =	simm.s32 $0x1  }
0x2: {  	[smem:$0x3F9B] =	sst lr;
	_ =	strace $0xD0000000  }
0x3: {  	_ = 	snop  }
0x4: {  	_ = 	snop  }
0x5: {  	_ = 	snop  }
0x6: {  	_ = 	snop  }
0x7: {  	_ = 	snop  }
__scs_overlays_trampoline_lowered:
0x8: {  	[smem:$0x3FAA] =	sst s0  }
0x9: {  	[smem:$0x3FAB] =	sst s1  }
0xa: {  	[smem:$0x3FAC] =	sst s2  }
0xb: {  	[smem:$0x3FAD] =	sst s3  }
0xc: {  	[smem:$0x3FAE] =	sst s4  }
0xd: {  	[smem:$0x3FAF] =	sst s5  }
0xe: {  	[smem:$0x3FB0] =	sst s6  }
0xf: {  	[smem:$0x3FB1] =	sst s7  }
0x10: {  	[smem:$0x3FB2] =	sst s8  }
0x11: {  	[smem:$0x3FB3] =	sst s9;
	s0 =	simm.s32 @!p0 $0x0  }
0x12: {  	s1 =	sld [smem:$0x3F99];
	s0 =	simm.s32 @p0 $0x1  }
0x13: {  	[smem:$0x3FB4] =	sst s0;
	s0 =	simm.s32 @!p1 $0x0  }
0x14: {  	s2 =	sld [smem:$0x3F98];
	s0 =	simm.s32 @p1 $0x1  }
0x15: {  	[smem:$0x3FB5] =	sst s0;
	s0 =	simm.s32 @!p2 $0x0  }
0x16: {  	s3 =	sld [smem:$0x3FDB];
	s0 =	simm.s32 @p2 $0x1  }
0x17: {  	s4 =	simm.s32 $0x1BF5;
	[smem:$0x3FB7] =	sst s0  }
0x18: {  	s0 =	sld [smem:$0x3F9A];
	_ =	swait.ge [sflag:s4], $0x0  }
0x19: {  	s7 =	sld [smem:$0x3F9B]  }
0x1a: {  	s8 =	sadd.s32 $0xFFFFE003, lr  }
0x1b: {  	s9 =	sadd.s32 $0xFFFFFEF7, lr;
	s5 =	simm.s32 $0xFFFFFFFF;
	p2 =	slt.u32 s8, $0xFFFFF086  }
0x1c: {  	p1 =	slt.u32 s9, $0xF7A;
	s5 =	simm.s32 @!p2 $0x0  }
0x1d: {  	s5 =	simm.s32 @p1 $0x1;
	p0 =	seq.s32 s7, s2  }
0x1e: {  	s7 =	smul.u32 @!p0 $0xF7A, s2;
	p2 =	seq.s32 @!p0 s5, $0x0  }
0x1f: {  	s9 =	smul.u32 $0xF7A, s1;
	s8 =	simm.s32 @!p0 $0x1BF5;
	p2 =	por !p2, p0  }
0x20: {  	[sflag:s8] =	ssyncset.s32 @!p0 $0xFFFFF086;
	s6 =	sadd.s32 @!p0 s3, s7;
	s7 =	simm.s32 @!p0 $0x108  }
0x21: {  	s3 =	sadd.s32 s3, s9;
	s6 =	sadd.s32 @!p0 $0x88, s6;
	s7 =	simm.s32 @p2 $0x1082  }
0x22: {  	[simem:s7], [sflag:s8] =	dma.local @!p0 [hbm:s6], $0xF7A  }
0x23: {  	s9 =	sor.u32 $0xD0000000, s2;
	s6 =	simm.s32 $0x108;
	_ =	swait.ge @!p0 [sflag:s8], $0x0  }
0x24: {  	s3 =	sadd.s32 $0x88, s3;
	s6 =	simm.s32 @!p1 $0x1082;
	[sflag:s4] =	ssyncset.s32 $0xFFFFF086  }
0x25: {  	[simem:s6], [sflag:s4] =	dma.local [hbm:s3], $0xF7A  }
0x26: {  	[smem:$0x3F9B] =	sst s1;
	(tag) =	ssettag s2;
	_ =	strace s9  }
0x27: {  	s1 =	sld [smem:$0x3FAB]  }
0x28: {  	s2 =	sld [smem:$0x3FAC]  }
0x29: {  	s4 =	sld [smem:$0x3FAE]  }
0x2a: {  	p0 =	seq.s32 s5, $0x0;
	s5 =	sld [smem:$0x3FAF]  }
0x2b: {  	s6 =	sld [smem:$0x3FB0]  }
0x2c: {  	s7 =	sld [smem:$0x3FB1]  }
0x2d: {  	s3 =	simm.s32 $0x108;
	s8 =	sld [smem:$0x3FB2]  }
0x2e: {  	s3 =	simm.s32 @!p0 $0x1082;
	s9 =	sld [smem:$0x3FB3]  }
0x2f: {  	lr =	sadd.s32 s0, s3;
	s0 =	sld [smem:$0x3FAA]  }
0x30: {  	s3 =	sld [smem:$0x3FAD]  }
0x31: {  	[smem:$0x3FB6] =	sst s10  }
0x32: {  	s10 =	sld [smem:$0x3FB4];
	_ =	sdelay $0x3  }
0x33: {  	p0 =	seq.s32 s10, $0x1;
	s10 =	sld [smem:$0x3FB6];
	_ =	sdelay $0x3  }
0x34: {  	[smem:$0x3FB6] =	sst s10  }
0x35: {  	s10 =	sld [smem:$0x3FB5];
	_ =	sdelay $0x3  }
0x36: {  	p1 =	seq.s32 s10, $0x1;
	s10 =	sld [smem:$0x3FB6];
	_ =	sdelay $0x3  }
0x37: {  	[smem:$0x3FB6] =	sst s10  }
0x38: {  	s10 =	sld [smem:$0x3FB7]  }
0x39: {  	_ = 	snop;
	(pc) =	sbr.ind lr, $3  }
0x3a: {  	_ = 	snop  }
0x3b: {  	_ = 	snop  }
0x3c: {  	p2 =	seq.s32 s10, $0x1;
	s10 =	sld [smem:$0x3FB6]  }
0x3d: {  	_ =	shalt  }
0x3e: {  	_ =	shalt  }
0x3f: {  	_ =	shalt  }
0x40: {  	_ =	shalt  }
0x41: {  	_ =	shalt  }
0x42: {  	_ =	shalt  }
0x43: {  	_ =	shalt  }
0x44: {  	_ =	shalt  }
0x45: {  	_ =	shalt  }
0x46: {  	_ =	shalt  }
0x47: {  	_ =	shalt  }
0x48: {  	_ =	shalt  }
0x49: {  	_ =	shalt  }
0x4a: {  	_ =	shalt  }
0x4b: {  	_ =	shalt  }
0x4c: {  	_ =	shalt  }
0x4d: {  	_ =	shalt  }
0x4e: {  	_ =	shalt  }
0x4f: {  	_ =	shalt  }
0x50: {  	_ =	shalt  }
0x51: {  	_ =	shalt  }
0x52: {  	_ =	shalt  }
0x53: {  	_ =	shalt  }
0x54: {  	_ =	shalt  }
0x55: {  	_ =	shalt  }
0x56: {  	_ =	shalt  }
0x57: {  	_ =	shalt  }
0x58: {  	_ =	shalt  }
0x59: {  	_ =	shalt  }
0x5a: {  	_ =	shalt  }
0x5b: {  	_ =	shalt  }
0x5c: {  	_ =	shalt  }
0x5d: {  	_ =	shalt  }
0x5e: {  	_ =	shalt  }
0x5f: {  	_ =	shalt  }
0x60: {  	_ =	shalt  }
0x61: {  	_ =	shalt  }
0x62: {  	_ =	shalt  }
0x63: {  	_ =	shalt  }
0x64: {  	_ =	shalt  }
0x65: {  	_ =	shalt  }
0x66: {  	_ =	shalt  }
0x67: {  	_ =	shalt  }
0x68: {  	_ =	shalt  }
0x69: {  	_ =	shalt  }
0x6a: {  	_ =	shalt  }
0x6b: {  	_ =	shalt  }
0x6c: {  	_ =	shalt  }
0x6d: {  	_ =	shalt  }
0x6e: {  	_ =	shalt  }
0x6f: {  	_ =	shalt  }
0x70: {  	_ =	shalt  }
0x71: {  	_ =	shalt  }
0x72: {  	_ =	shalt  }
0x73: {  	_ =	shalt  }
0x74: {  	_ =	shalt  }
0x75: {  	_ =	shalt  }
0x76: {  	_ =	shalt  }
0x77: {  	_ =	shalt  }
0x78: {  	_ =	shalt  }
0x79: {  	_ =	shalt  }
0x7a: {  	_ =	shalt  }
0x7b: {  	_ =	shalt  }
0x7c: {  	_ =	shalt  }
0x7d: {  	_ =	shalt  }
0x7e: {  	_ =	shalt  }
0x7f: {  	_ =	shalt  }
0x80: {  	_ =	shalt  }
0x81: {  	_ =	shalt  }
0x82: {  	_ =	shalt  }
0x83: {  	_ =	shalt  }
0x84: {  	_ =	shalt  }
0x85: {  	_ =	shalt  }
0x86: {  	_ =	shalt  }
0x87: {  	_ =	shalt  }
.Lfunc_end0:
.L_simem_size_0:
called_computation.1_lowered:
.L_overlay_start_0:
0x88: {  	s2 =	sld [smem:$0x3FD9]  }
0x89: {  	s3 =	sld [smem:$0x3FFE];
	_ =	sdelay $0x1  }
0x8a: {  	s1 =	srdreg.scid  }
0x8b: {  	s0 =	sand.u32 $0x1, s1  }
0x8c: {  	s16 =	sshll.u32 s0, $0xA;
	s2 =	sadd.s32 s3, s2  }
0x8d: {  	s2 =	sadd.s32 s2, s16  }
0x8e: {  	[smem:$0x3FC2] =	sst s2  }
0x8f: {  	_ = 	snop  }
0x90: {  	(tm) =	ssettm $0x1  }
0x91: {  	s17 =	sld [smem:$0x3FFB];
	_ =	sdelay $0x3  }
0x92: {  	_ =	strace s17  }
0x93: {  	s2 =	sld [smem:$0x3FFC];
	_ =	sdelay $0x3  }
0x94: {  	_ =	strace s2  }
0x95: {  	s2 =	sld [smem:$0x3FFD];
	_ =	sdelay $0x3  }
0x96: {  	_ =	strace s2  }
0x97: {  	_ =	strace $0x8FFFFFFF  }
0x98: {  	s18 =	sld [smem:$0x3FDB];
	_ =	sdelay $0x1  }
0x99: {  	s19 =	simm.s32 $_scs_section_size  }
0x9a: {  	s4 =	simm.s32 $_size__tile_overlayer_lowered;
	s5 =	simm.s32 $_tile_overlayer_lowered  }
0x9b: {  	s22 =	simm.s32 $0x1BFF;
	s21 =	sshll.u32 s5, $0x1;
	s2 =	sadd.s32 s19, s18  }
0x9c: {  	s6 =	simm.s32 $0x0;
	s20 =	sshll.u32 s4, $0x1;
	s4 =	sadd.s32 s21, s2  }
0x9d: {  	[timem:s6], [sflag:s22] =	dma.local [hbm:s4], s20  }
0x9e: {  	_ =	swait.ge [sflag:s22], s20  }
0x9f: {  	s3 =	ssub.s32 $0x0, s20;
	[sflag:s22] =	ssyncset.done $0x0  }
0xa0: {  	[sflag:s22] =	ssyncadd.s32 s3;
	_ =	sdelay $0x1  }
0xa1: {  	s23 =	simm.s32 $0x1B8B  }
0xa2: {  	_ =	swait.ge [sflag:s23], $0x1  }
0xa3: {  	[sflag:s23] =	ssyncset.done $0x0  }
0xa4: {  	s25 =	simm.s32 $0x1B8E;
	s24 =	sld [smem:$0x3FFE];
	[sflag:s23] =	ssyncadd.s32 $0xFFFFFFFF  }
0xa5: {  	s26 =	simm.s32 $execute0_lowered;
	[smem:$0x3FD2] =	sst s25  }
0xa6: {  	s4 =	sshll.u32 s26, $0x1;
	_ =	strace $0x80000049;
	[dreg:$0x1] =	wrdreg $0xFFFFFFFF  }
0xa7: {  	s28 =	simm.s32 $_size_execute0_lowered;
	s2 =	sadd.s32 s2, s4;
	[dreg:$0x0] =	wrdreg $0x0  }
0xa8: {  	s4 =	sshll.u32 s28, $0x1;
	[dreg:$0x2] =	wrdreg s2  }
0xa9: {  	[dreg:$0x3] =	wrdreg s4  }
0xaa: {  	[dreg:$0x4] =	wrdreg $0xC0  }
0xab: {  	_ =	task [dreg:s6], $0x5FFFF  }
0xac: {  	[dreg:$0x1] =	wrdreg $0xFFFFFFFF  }
0xad: {  	[dreg:$0x0] =	wrdreg $0x60  }
0xae: {  	[dreg:$0x2] =	wrdreg s24  }
0xaf: {  	[dreg:$0x3] =	wrdreg $0x90000  }
0xb0: {  	[dreg:$0x4] =	wrdreg $0x130000  }
0xb1: {  	[dreg:$0x5] =	wrdreg $0x9  }
0xb2: {  	_ =	task.clear_ibuf [dreg:s6], $0x6FFFF;
	_ =	strace $0x90000049  }
0xb3: {  	s29 =	simm.s32 $0x9;
	_ =	strace $0x8000004B  }
0xb4: {  	_ =	swait.ge [sflag:s29], $0x1  }
0xb5: {  	[sflag:s29] =	ssyncadd.s32 $0xFFFFFFFF  }
0xb6: {  	_ =	strace $0x9000004B  }
0xb7: {  	_ =	sfence  }
0xb8: {  	s30 =	sld [smem:$0x0];
	_ =	sdelay $0x2  }
0xb9: {  	s31 =	sshll.u32 s1, $0xD;
	s1 =	sshrl.u32 s1, $0x2  }
0xba: {  	s3 =	sand.u32 $0x4000, s31;
	s1 =	sadd.s32 s1, s30  }
0xbb: {  	s0 =	sor.u32 s3, s0;
	s1 =	sshll.u32 s1, $0x11  }
0xbc: {  	s0 =	sor.u32 s1, s0  }
0xbd: {  	s0 =	sadd.s32 $0x8F2B, s0  }
0xbe: {  	[sflag:s0] =	ssyncadd.remote.s32 $0x1  }
0xbf: {  	_ =	sfence.sel $0xFFFF  }
0xc0: {  	[dreg:$0x0] =	wrdreg $0xFFFFFFFF;
	(pc) =	sbr.abs _section_cstart, $3  }
0xc1: {  	[dreg:$0x1] =	wrdreg $0xFFFFFFFF  }
0xc2: {  	_ =	task.clear_ibuf [dreg:s6], $0x2FFFF;
	_ =	strace $0x9FFFFFFF  }
0xc3: {  	(tm) =	ssettm $0x7FFFFFFF  }
tec
execute0_lowered:
.L_overlay_start_1:
0x0: {  	(tag) =	ssettag $0x1  }
0x1: {  	s5 =	rddreg [dreg:$0x0]  }
0x2: {  	s2 =	rddreg [dreg:$0x1]  }
0x3: {  	s3 =	rddreg [dreg:$0x2]  }
0x4: {  	s0 =	rddreg [dreg:$0x3];
	s1 =	stileid.u32  }
0x5: {  	s6 =	srdreg.scid;
	s4 =	simm.s32 $0x0;
	s12 =	simm.s32 $0x2800  }
0x6: {  	s16 =	simm.s32 $0x80;
	s17 =	simm.s32 $0x5000;
	s18 =	simm.s32 $0x7000  }
0x7: {  	s19 =	simm.s32 $0x1;
	s20 =	simm.s32 $0x2;
	s21 =	simm.s32 $0x2780  }
0x8: {  	s22 =	simm.s32 $0x4F00;
	s23 =	simm.s32 $0x4F80;
	s24 =	simm.s32 $0x0  }
0x9: {  	s8 =	smul.u32 $0xA000, s1;
	s6 =	sand.u32 $0x1, s6;
	[smem:$0x7FF] =	sst s4  }
0xa: {  	s7 =	sshll.u32 s1, $0x1;
	s13 =	sshll.u32 s1, $0x6;
	s9 =	smul.u32 $0xA0000, s6  }
0xb: {  	_ =	strace $0x8000004A;
	s7 =	sor.u32 s6, s7;
	s6 =	ssub.s32 $0x2, s6  }
0xc: {  	s13 =	sor.u32 $0x1C03, s13;
	s10 =	sshrl.u32 s8, $0x3;
	s7 =	smul.u32 $0x500, s7  }
0xd: {  	s31 =	sshrl.u32 s6, $0x1;
	s14 =	sadd.s32 s8, s2;
	s15 =	sadd.s32 s8, s3  }
0xe: {  	s9 =	sadd.s32 s8, s9;
	s10 =	sadd.s32 s10, s5;
	s11 =	ssub.s32 s6, s31  }
0xf: {  	s14 =	sshrl.u32 s14, $0x3;
	s15 =	sshrl.u32 s15, $0x3;
	s9 =	sshrl.u32 s9, $0x3  }
0x10: {  	s7 =	sadd.s32 s7, s5;
	s8 =	sadd.s32 $0x24600, s10;
	s9 =	sadd.s32 s9, s5  }
0x11: {  	s5 =	sadd.s32 $0x1A600, s7;
	s6 =	sadd.s32 $0x1600, s7;
	s7 =	sadd.s32 $0x38600, s10  }
0x12: {  	s10 =	smax.u32 s11, $0x1;
	s11 =	simm.s32 $0x3;
	s9 =	sadd.s32 $0x4C600, s9  }
.LBB2_1:
0x13: {  	[tilespmem:s4], [sflag:$0x3] =	stream.linear.gather [hbm4b:s5+s4], $0x2800, $0x38;
	[tilespmem:$0x1D000] =	vst v63  }
0x14: {  	_ =	swait.ge [sflag:s11], $0x2800  }
0x15: {  	[sflag:s11] =	ssyncset.done $0x0  }
0x16: {  	[sflag:s11] =	ssyncadd.s32 $0xFFFFD800  }
0x17: {  	[tilespmem:s12], [sflag:$0x3] =	stream.linear.gather [hbm4b:s6+s4], $0x2800, $0x38;
	[tilespmem:$0x1D000] =	vst v63  }
0x18: {  	_ =	swait.ge [sflag:s11], $0x2800  }
0x19: {  	[sflag:s11] =	ssyncset.done $0x0  }
0x1a: {  	[sflag:s11] =	ssyncadd.s32 $0xFFFFD800  }
0x1b: {  	[spmem:s14], [sflag:s13] =	dma.local [hbm:s7], $0x1400  }
0x1c: {  	_ =	swait.ge [sflag:s11], $0x1400  }
0x1d: {  	[sflag:s11] =	ssyncset.done $0x0  }
0x1e: {  	[sflag:s11] =	ssyncadd.s32 $0xFFFFEC00  }
0x1f: {  	[spmem:s15], [sflag:s13] =	dma.local [hbm:s8], $0x1400  }
0x20: {  	_ =	swait.ge [sflag:s11], $0x1400  }
0x21: {  	[sflag:s11] =	ssyncset.done $0x0  }
0x22: {  	[sflag:s11] =	ssyncadd.s32 $0xFFFFEC00  }
0x23: {  	[bflag:$0x0] =	sbarrier.arrive $0xFFFF  }
0x24: {  	[tilespmem:s17], [sflag:$0x1] =	stream.indirect.gather [spmem:s3], $0x40, s4, s16, $0xb8;
	[tilespmem:$0x1D000] =	vst v63  }
0x25: {  	s25 =	simm.s32 $0x80  }
0x26: {  	[tilespmem:s18], [sflag:$0x2] =	stream.indirect.gather [spmem:s3], $0x40, s25, s16, $0xb8;
	[tilespmem:$0x1D000] =	vst v63  }
0x27: {  	_ =	swait.ge [sflag:s19], $0x2000  }
0x28: {  	[sflag:s19] =	ssyncset.done $0x0  }
0x29: {  	s29 =	simm.s32 $0x2800;
	[sflag:s19] =	ssyncadd.s32 $0xFFFFE000  }
0x2a: {  	[spmem:s2] =	stream.indirect.scatter.add.f32 [tilespmem:s17], [sflag:$0x3], $0x40, s29, s16, $0xb8;
	[tilespmem:$0x1D000] =	vst v63  }
0x2b: {  	_ =	swait.ge [sflag:s11], $0x2000  }
0x2c: {  	[sflag:s11] =	ssyncset.done $0x0  }
0x2d: {  	s30 =	simm.s32 $0x100;
	[sflag:s11] =	ssyncadd.s32 $0xFFFFE000  }
0x2e: {  	[tilespmem:s17], [sflag:$0x1] =	stream.indirect.gather [spmem:s3], $0x40, s30, s16, $0xb8;
	[tilespmem:$0x1D000] =	vst v63  }
0x2f: {  	_ =	swait.ge [sflag:s20], $0x2000  }
0x30: {  	[sflag:s20] =	ssyncset.done $0x0  }
0x31: {  	s31 =	simm.s32 $0x2880;
	[sflag:s20] =	ssyncadd.s32 $0xFFFFE000  }
0x32: {  	[spmem:s2] =	stream.indirect.scatter.add.f32 [tilespmem:s18], [sflag:$0x3], $0x40, s31, s16, $0xb8;
	[tilespmem:$0x1D000] =	vst v63  }
0x33: {  	_ =	swait.ge [sflag:s11], $0x2000  }
0x34: {  	s26 =	simm.s32 $0x800;
	s25 =	simm.s32 $0x100;
	[sflag:s11] =	ssyncset.done $0x0  }
.LBB2_2:
0x35: {  	s28 =	sadd.s32 $0x80, s25  }
0x36: {  	[sflag:s11] =	ssyncadd.s32 $0xFFFFE000;
	s29 =	smov.u32 s26;
	s30 =	sadd.s32 $0x400, s26  }
0x37: {  	[tilespmem:s18], [sflag:$0x2] =	stream.indirect.gather [spmem:s3], $0x40, s28, s16, $0xb8;
	[tilespmem:$0x1D000] =	vst v63  }
0x38: {  	p0 =	sne.s32 s26, $0x9800;
	_ =	swait.ge [sflag:s19], $0x2000  }
0x39: {  	[sflag:s19] =	ssyncset.done $0x0  }
0x3a: {  	s26 =	sadd.s32 $0x2800, s25;
	[sflag:s19] =	ssyncadd.s32 $0xFFFFE000  }
0x3b: {  	[spmem:s2] =	stream.indirect.scatter.add.f32 [tilespmem:s17], [sflag:$0x3], $0x40, s26, s16, $0xb8;
	[tilespmem:$0x1D000] =	vst v63  }
0x3c: {  	_ =	swait.ge [sflag:s11], $0x2000  }
0x3d: {  	[sflag:s11] =	ssyncset.done $0x0  }
0x3e: {  	s26 =	sadd.s32 $0x100, s25;
	[sflag:s11] =	ssyncadd.s32 $0xFFFFE000  }
0x3f: {  	[tilespmem:s17], [sflag:$0x1] =	stream.indirect.gather [spmem:s3], $0x40, s26, s16, $0xb8;
	[tilespmem:$0x1D000] =	vst v63  }
0x40: {  	_ =	swait.ge [sflag:s20], $0x2000  }
.Ltmp0:
0x41: {  	[sflag:s20] =	ssyncset.done $0x0;
	(pc) =	sbr.rel @p0 .LBB2_2-.Ltmp0, $4  }
0x42: {  	s25 =	sadd.s32 $0x2880, s25;
	[sflag:s20] =	ssyncadd.s32 $0xFFFFE000  }
0x43: {  	[spmem:s2] =	stream.indirect.scatter.add.f32 [tilespmem:s18], [sflag:$0x3], $0x40, s25, s16, $0xb8;
	[tilespmem:$0x1D000] =	vst v63  }
0x44: {  	_ =	swait.ge [sflag:s11], $0x2000  }
0x45: {  	s26 =	smov.u32 s30;
	s25 =	sshra.s32 s29, $0x2;
	[sflag:s11] =	ssyncset.done $0x0  }
0x46: {  	s26 =	sadd.s32 $0x80, s25;
	[sflag:s11] =	ssyncadd.s32 $0xFFFFE000  }
0x47: {  	[tilespmem:s18], [sflag:$0x2] =	stream.indirect.gather [spmem:s3], $0x40, s26, s16, $0xb8;
	[tilespmem:$0x1D000] =	vst v63  }
0x48: {  	_ =	swait.ge [sflag:s19], $0x2000  }
0x49: {  	[sflag:s19] =	ssyncset.done $0x0  }
0x4a: {  	s29 =	sadd.s32 $0x2800, s25;
	[sflag:s19] =	ssyncadd.s32 $0xFFFFE000  }
0x4b: {  	[spmem:s2] =	stream.indirect.scatter.add.f32 [tilespmem:s17], [sflag:$0x3], $0x40, s29, s16, $0xb8;
	[tilespmem:$0x1D000] =	vst v63  }
0x4c: {  	_ =	swait.ge [sflag:s11], $0x2000  }
0x4d: {  	[sflag:s11] =	ssyncset.done $0x0  }
0x4e: {  	s30 =	sadd.s32 $0x100, s25;
	[sflag:s11] =	ssyncadd.s32 $0xFFFFE000  }
0x4f: {  	[tilespmem:s17], [sflag:$0x1] =	stream.indirect.gather [spmem:s3], $0x40, s30, s16, $0xb8;
	[tilespmem:$0x1D000] =	vst v63  }
0x50: {  	_ =	swait.ge [sflag:s20], $0x2000  }
0x51: {  	[sflag:s20] =	ssyncset.done $0x0  }
0x52: {  	s31 =	sadd.s32 $0x2880, s25;
	[sflag:s20] =	ssyncadd.s32 $0xFFFFE000  }
0x53: {  	[spmem:s2] =	stream.indirect.scatter.add.f32 [tilespmem:s18], [sflag:$0x3], $0x40, s31, s16, $0xb8;
	[tilespmem:$0x1D000] =	vst v63  }
0x54: {  	_ =	swait.ge [sflag:s11], $0x2000  }
0x55: {  	[sflag:s11] =	ssyncset.done $0x0  }
0x56: {  	[sflag:s11] =	ssyncadd.s32 $0xFFFFE000  }
0x57: {  	[tilespmem:s18], [sflag:$0x2] =	stream.indirect.gather [spmem:s3], $0x40, s21, s16, $0xb8;
	[tilespmem:$0x1D000] =	vst v63  }
0x58: {  	_ =	swait.ge [sflag:s19], $0x2000  }
0x59: {  	[sflag:s19] =	ssyncset.done $0x0  }
0x5a: {  	[sflag:s19] =	ssyncadd.s32 $0xFFFFE000  }
0x5b: {  	[spmem:s2] =	stream.indirect.scatter.add.f32 [tilespmem:s17], [sflag:$0x3], $0x40, s22, s16, $0xb8;
	[tilespmem:$0x1D000] =	vst v63  }
0x5c: {  	_ =	swait.ge [sflag:s11], $0x2000  }
0x5d: {  	[sflag:s11] =	ssyncset.done $0x0  }
0x5e: {  	[sflag:s11] =	ssyncadd.s32 $0xFFFFE000  }
0x5f: {  	_ =	swait.ge [sflag:s20], $0x2000  }
0x60: {  	[sflag:s20] =	ssyncset.done $0x0  }
0x61: {  	[sflag:s20] =	ssyncadd.s32 $0xFFFFE000  }
0x62: {  	[spmem:s2] =	stream.indirect.scatter.add.f32 [tilespmem:s18], [sflag:$0x3], $0x40, s23, s16, $0xb8;
	[tilespmem:$0x1D000] =	vst v63  }
0x63: {  	_ =	swait.ge [sflag:s11], $0x2000  }
0x64: {  	s24 =	sadd.s32 $0x1, s24;
	[sflag:s11] =	ssyncset.done $0x0  }
0x65: {  	p0 =	sne.s32 s24, s10;
	[sflag:s11] =	ssyncadd.s32 $0xFFFFE000  }
.Ltmp1:
0x66: {  	[bflag:$0x0] =	sbarrier.arrive $0xFFFF;
	(pc) =	sbr.rel @p0 .LBB2_1-.Ltmp1, $4  }
0x67: {  	[hbm:s9], [sflag:s13] =	dma.local [spmem:s14], $0x1400  }
0x68: {  	_ =	swait.ge [sflag:s11], $0x1400  }
0x69: {  	[sflag:s11] =	ssyncset.done $0x0  }
0x6a: {  	[sflag:s11] =	ssyncadd.s32 $0xFFFFEC00  }
0x6b: {  	_ =	sfence.sel $0x180000  }
0x6c: {  	[bflag:$0x0] =	sbarrier.arrive $0xFFFF  }
0x6d: {  	p0 =	sne.s32 s1, $0x0;
	_ =	strace $0x9000004A  }
0x6e: {  	s0 =	sadd.s32 @!p0 $0x100000, s0;
	[bflag:$0x2] =	sbarrier.arrive $0xFFFF  }
0x6f: {  	[sflag:s0] =	ssyncadd.tile.s32 @!p0 $0x1;
	_ =	shalt  }
.Lfunc_end2:
_tile_overlayer_lowered:
.L_overlay_start_2:
0x70: {  	(tag) =	ssettag $0x2  }
0x71: {  	s0 =	rddreg [dreg:$0x0];
	s2 =	stileid.u32  }
0x72: {  	s1 =	rddreg [dreg:$0x1];
	p0 =	sne.s32 s2, $0x0  }
0x73: {  	s3 =	rddreg [dreg:$0x2];
	[bflag:$0x3] =	sbarrier.arrive $0xFFFF;
	s2 =	simm.s32 @!p0 $0x1C03  }
0x74: {  	[timem:s3], [sflag:s2] =	dma.local @!p0 [hbm:s0], s1  }
0x75: {  	s0 =	simm.s32 @!p0 $0x3  }
0x76: {  	_ =	swait.ge @!p0 [sflag:s0], s1  }
0x77: {  	s1 =	ssub.s32 @!p0 $0x0, s1;
	[sflag:s0] =	ssyncset.done @!p0 $0x0  }
0x78: {  	[sflag:s0] =	ssyncadd.s32 @!p0 s1  }
0x79: {  	[bflag:$0x3] =	sbarrier.arrive $0xFFFF  }
0x7a: {  	_ =	shalt  }

// kernel: kernel.14.cloned.1.call-start
scs
__scs_entry_jumppad:
0x0: {  	(pc) =	sbr.rel $0x88, $3  }
0x1: {  	(tag) =	ssettag $0x0;
	lr =	simm.s32 $0x1  }
0x2: {  	[smem:$0x3F9B] =	sst lr;
	_ =	strace $0xD0000000  }
0x3: {  	_ = 	snop  }
0x4: {  	_ = 	snop  }
0x5: {  	_ = 	snop  }
0x6: {  	_ = 	snop  }
0x7: {  	_ = 	snop  }
__scs_overlays_trampoline_lowered:
0x8: {  	[smem:$0x3FAA] =	sst s0  }
0x9: {  	[smem:$0x3FAB] =	sst s1  }
0xa: {  	[smem:$0x3FAC] =	sst s2  }
0xb: {  	[smem:$0x3FAD] =	sst s3  }
0xc: {  	[smem:$0x3FAE] =	sst s4  }
0xd: {  	[smem:$0x3FAF] =	sst s5  }
0xe: {  	[smem:$0x3FB0] =	sst s6  }
0xf: {  	[smem:$0x3FB1] =	sst s7  }
0x10: {  	[smem:$0x3FB2] =	sst s8  }
0x11: {  	[smem:$0x3FB3] =	sst s9;
	s0 =	simm.s32 @!p0 $0x0  }
0x12: {  	s1 =	sld [smem:$0x3F99];
	s0 =	simm.s32 @p0 $0x1  }
0x13: {  	[smem:$0x3FB4] =	sst s0;
	s0 =	simm.s32 @!p1 $0x0  }
0x14: {  	s2 =	sld [smem:$0x3F98];
	s0 =	simm.s32 @p1 $0x1  }
0x15: {  	[smem:$0x3FB5] =	sst s0;
	s0 =	simm.s32 @!p2 $0x0  }
0x16: {  	s3 =	sld [smem:$0x3FDB];
	s0 =	simm.s32 @p2 $0x1  }
0x17: {  	s4 =	simm.s32 $0x1BF5;
	[smem:$0x3FB7] =	sst s0  }
0x18: {  	s0 =	sld [smem:$0x3F9A];
	_ =	swait.ge [sflag:s4], $0x0  }
0x19: {  	s7 =	sld [smem:$0x3F9B]  }
0x1a: {  	s8 =	sadd.s32 $0xFFFFE003, lr  }
0x1b: {  	s9 =	sadd.s32 $0xFFFFFEF7, lr;
	s5 =	simm.s32 $0xFFFFFFFF;
	p2 =	slt.u32 s8, $0xFFFFF086  }
0x1c: {  	p1 =	slt.u32 s9, $0xF7A;
	s5 =	simm.s32 @!p2 $0x0  }
0x1d: {  	s5 =	simm.s32 @p1 $0x1;
	p0 =	seq.s32 s7, s2  }
0x1e: {  	s7 =	smul.u32 @!p0 $0xF7A, s2;
	p2 =	seq.s32 @!p0 s5, $0x0  }
0x1f: {  	s9 =	smul.u32 $0xF7A, s1;
	s8 =	simm.s32 @!p0 $0x1BF5;
	p2 =	por !p2, p0  }
0x20: {  	[sflag:s8] =	ssyncset.s32 @!p0 $0xFFFFF086;
	s6 =	sadd.s32 @!p0 s3, s7;
	s7 =	simm.s32 @!p0 $0x108  }
0x21: {  	s3 =	sadd.s32 s3, s9;
	s6 =	sadd.s32 @!p0 $0x88, s6;
	s7 =	simm.s32 @p2 $0x1082  }
0x22: {  	[simem:s7], [sflag:s8] =	dma.local @!p0 [hbm:s6], $0xF7A  }
0x23: {  	s9 =	sor.u32 $0xD0000000, s2;
	s6 =	simm.s32 $0x108;
	_ =	swait.ge @!p0 [sflag:s8], $0x0  }
0x24: {  	s3 =	sadd.s32 $0x88, s3;
	s6 =	simm.s32 @!p1 $0x1082;
	[sflag:s4] =	ssyncset.s32 $0xFFFFF086  }
0x25: {  	[simem:s6], [sflag:s4] =	dma.local [hbm:s3], $0xF7A  }
0x26: {  	[smem:$0x3F9B] =	sst s1;
	(tag) =	ssettag s2;
	_ =	strace s9  }
0x27: {  	s1 =	sld [smem:$0x3FAB]  }
0x28: {  	s2 =	sld [smem:$0x3FAC]  }
0x29: {  	s4 =	sld [smem:$0x3FAE]  }
0x2a: {  	p0 =	seq.s32 s5, $0x0;
	s5 =	sld [smem:$0x3FAF]  }
0x2b: {  	s6 =	sld [smem:$0x3FB0]  }
0x2c: {  	s7 =	sld [smem:$0x3FB1]  }
0x2d: {  	s3 =	simm.s32 $0x108;
	s8 =	sld [smem:$0x3FB2]  }
0x2e: {  	s3 =	simm.s32 @!p0 $0x1082;
	s9 =	sld [smem:$0x3FB3]  }
0x2f: {  	lr =	sadd.s32 s0, s3;
	s0 =	sld [smem:$0x3FAA]  }
0x30: {  	s3 =	sld [smem:$0x3FAD]  }
0x31: {  	[smem:$0x3FB6] =	sst s10  }
0x32: {  	s10 =	sld [smem:$0x3FB4];
	_ =	sdelay $0x3  }
0x33: {  	p0 =	seq.s32 s10, $0x1;
	s10 =	sld [smem:$0x3FB6];
	_ =	sdelay $0x3  }
0x34: {  	[smem:$0x3FB6] =	sst s10  }
0x35: {  	s10 =	sld [smem:$0x3FB5];
	_ =	sdelay $0x3  }
0x36: {  	p1 =	seq.s32 s10, $0x1;
	s10 =	sld [smem:$0x3FB6];
	_ =	sdelay $0x3  }
0x37: {  	[smem:$0x3FB6] =	sst s10  }
0x38: {  	s10 =	sld [smem:$0x3FB7]  }
0x39: {  	_ = 	snop;
	(pc) =	sbr.ind lr, $3  }
0x3a: {  	_ = 	snop  }
0x3b: {  	_ = 	snop  }
0x3c: {  	p2 =	seq.s32 s10, $0x1;
	s10 =	sld [smem:$0x3FB6]  }
0x3d: {  	_ =	shalt  }
0x3e: {  	_ =	shalt  }
0x3f: {  	_ =	shalt  }
0x40: {  	_ =	shalt  }
0x41: {  	_ =	shalt  }
0x42: {  	_ =	shalt  }
0x43: {  	_ =	shalt  }
0x44: {  	_ =	shalt  }
0x45: {  	_ =	shalt  }
0x46: {  	_ =	shalt  }
0x47: {  	_ =	shalt  }
0x48: {  	_ =	shalt  }
0x49: {  	_ =	shalt  }
0x4a: {  	_ =	shalt  }
0x4b: {  	_ =	shalt  }
0x4c: {  	_ =	shalt  }
0x4d: {  	_ =	shalt  }
0x4e: {  	_ =	shalt  }
0x4f: {  	_ =	shalt  }
0x50: {  	_ =	shalt  }
0x51: {  	_ =	shalt  }
0x52: {  	_ =	shalt  }
0x53: {  	_ =	shalt  }
0x54: {  	_ =	shalt  }
0x55: {  	_ =	shalt  }
0x56: {  	_ =	shalt  }
0x57: {  	_ =	shalt  }
0x58: {  	_ =	shalt  }
0x59: {  	_ =	shalt  }
0x5a: {  	_ =	shalt  }
0x5b: {  	_ =	shalt  }
0x5c: {  	_ =	shalt  }
0x5d: {  	_ =	shalt  }
0x5e: {  	_ =	shalt  }
0x5f: {  	_ =	shalt  }
0x60: {  	_ =	shalt  }
0x61: {  	_ =	shalt  }
0x62: {  	_ =	shalt  }
0x63: {  	_ =	shalt  }
0x64: {  	_ =	shalt  }
0x65: {  	_ =	shalt  }
0x66: {  	_ =	shalt  }
0x67: {  	_ =	shalt  }
0x68: {  	_ =	shalt  }
0x69: {  	_ =	shalt  }
0x6a: {  	_ =	shalt  }
0x6b: {  	_ =	shalt  }
0x6c: {  	_ =	shalt  }
0x6d: {  	_ =	shalt  }
0x6e: {  	_ =	shalt  }
0x6f: {  	_ =	shalt  }
0x70: {  	_ =	shalt  }
0x71: {  	_ =	shalt  }
0x72: {  	_ =	shalt  }
0x73: {  	_ =	shalt  }
0x74: {  	_ =	shalt  }
0x75: {  	_ =	shalt  }
0x76: {  	_ =	shalt  }
0x77: {  	_ =	shalt  }
0x78: {  	_ =	shalt  }
0x79: {  	_ =	shalt  }
0x7a: {  	_ =	shalt  }
0x7b: {  	_ =	shalt  }
0x7c: {  	_ =	shalt  }
0x7d: {  	_ =	shalt  }
0x7e: {  	_ =	shalt  }
0x7f: {  	_ =	shalt  }
0x80: {  	_ =	shalt  }
0x81: {  	_ =	shalt  }
0x82: {  	_ =	shalt  }
0x83: {  	_ =	shalt  }
0x84: {  	_ =	shalt  }
0x85: {  	_ =	shalt  }
0x86: {  	_ =	shalt  }
0x87: {  	_ =	shalt  }
.Lfunc_end0:
.L_simem_size_0:
called_computation.2_lowered:
.L_overlay_start_0:
0x88: {  	s2 =	sld [smem:$0x3FD9]  }
0x89: {  	s3 =	sld [smem:$0x3FFE];
	_ =	sdelay $0x1  }
0x8a: {  	s1 =	srdreg.scid  }
0x8b: {  	s0 =	sand.u32 $0x1, s1  }
0x8c: {  	s16 =	sshll.u32 s0, $0xA;
	s2 =	sadd.s32 s3, s2  }
0x8d: {  	s2 =	sadd.s32 s2, s16  }
0x8e: {  	[smem:$0x3FC2] =	sst s2  }
0x8f: {  	_ = 	snop  }
0x90: {  	(tm) =	ssettm $0x1  }
0x91: {  	s17 =	sld [smem:$0x3FFB];
	_ =	sdelay $0x3  }
0x92: {  	_ =	strace s17  }
0x93: {  	s2 =	sld [smem:$0x3FFC];
	_ =	sdelay $0x3  }
0x94: {  	_ =	strace s2  }
0x95: {  	s2 =	sld [smem:$0x3FFD];
	_ =	sdelay $0x3  }
0x96: {  	_ =	strace s2  }
0x97: {  	_ =	strace $0x8FFFFFFF  }
0x98: {  	s18 =	sld [smem:$0x3FDB];
	_ =	sdelay $0x1  }
0x99: {  	s19 =	simm.s32 $_scs_section_size  }
0x9a: {  	s4 =	simm.s32 $_size__tile_overlayer_lowered;
	s5 =	simm.s32 $_tile_overlayer_lowered  }
0x9b: {  	s22 =	simm.s32 $0x1BFF;
	s21 =	sshll.u32 s5, $0x1;
	s2 =	sadd.s32 s19, s18  }
0x9c: {  	s6 =	simm.s32 $0x0;
	s20 =	sshll.u32 s4, $0x1;
	s4 =	sadd.s32 s21, s2  }
0x9d: {  	[timem:s6], [sflag:s22] =	dma.local [hbm:s4], s20  }
0x9e: {  	_ =	swait.ge [sflag:s22], s20  }
0x9f: {  	s3 =	ssub.s32 $0x0, s20;
	[sflag:s22] =	ssyncset.done $0x0  }
0xa0: {  	[sflag:s22] =	ssyncadd.s32 s3;
	_ =	sdelay $0x1  }
0xa1: {  	s23 =	simm.s32 $0x1B8B  }
0xa2: {  	_ =	swait.ge [sflag:s23], $0x1  }
0xa3: {  	[sflag:s23] =	ssyncset.done $0x0  }
0xa4: {  	s25 =	simm.s32 $0x1B8E;
	s24 =	sld [smem:$0x3FFE];
	[sflag:s23] =	ssyncadd.s32 $0xFFFFFFFF  }
0xa5: {  	s26 =	simm.s32 $execute0_lowered;
	[smem:$0x3FD2] =	sst s25  }
0xa6: {  	s4 =	sshll.u32 s26, $0x1;
	_ =	strace $0x8000004C;
	[dreg:$0x1] =	wrdreg $0xFFFFFFFF  }
0xa7: {  	s28 =	simm.s32 $_size_execute0_lowered;
	s2 =	sadd.s32 s2, s4;
	[dreg:$0x0] =	wrdreg $0x0  }
0xa8: {  	s4 =	sshll.u32 s28, $0x1;
	[dreg:$0x2] =	wrdreg s2  }
0xa9: {  	[dreg:$0x3] =	wrdreg s4  }
0xaa: {  	[dreg:$0x4] =	wrdreg $0xC0  }
0xab: {  	_ =	task [dreg:s6], $0x5FFFF  }
0xac: {  	[dreg:$0x1] =	wrdreg $0xFFFFFFFF  }
0xad: {  	[dreg:$0x0] =	wrdreg $0x60  }
0xae: {  	[dreg:$0x2] =	wrdreg s24  }
0xaf: {  	[dreg:$0x3] =	wrdreg $0x60000  }
0xb0: {  	[dreg:$0x4] =	wrdreg $0x88000  }
0xb1: {  	[dreg:$0x5] =	wrdreg $0x9  }
0xb2: {  	_ =	task.clear_ibuf [dreg:s6], $0x6FFFF;
	_ =	strace $0x9000004C  }
0xb3: {  	s29 =	simm.s32 $0x9;
	_ =	strace $0x8000004E  }
0xb4: {  	_ =	swait.ge [sflag:s29], $0x1  }
0xb5: {  	[sflag:s29] =	ssyncadd.s32 $0xFFFFFFFF  }
0xb6: {  	_ =	strace $0x9000004E  }
0xb7: {  	_ =	sfence  }
0xb8: {  	s30 =	sld [smem:$0x0];
	_ =	sdelay $0x2  }
0xb9: {  	s31 =	sshll.u32 s1, $0xD;
	s1 =	sshrl.u32 s1, $0x2  }
0xba: {  	s3 =	sand.u32 $0x4000, s31;
	s1 =	sadd.s32 s1, s30  }
0xbb: {  	s0 =	sor.u32 s3, s0;
	s1 =	sshll.u32 s1, $0x11  }
0xbc: {  	s0 =	sor.u32 s1, s0  }
0xbd: {  	s0 =	sadd.s32 $0x8F2B, s0  }
0xbe: {  	[sflag:s0] =	ssyncadd.remote.s32 $0x1  }
0xbf: {  	_ =	sfence.sel $0xFFFF  }
0xc0: {  	[dreg:$0x0] =	wrdreg $0xFFFFFFFF;
	(pc) =	sbr.abs _section_cstart, $3  }
0xc1: {  	[dreg:$0x1] =	wrdreg $0xFFFFFFFF  }
0xc2: {  	_ =	task.clear_ibuf [dreg:s6], $0x2FFFF;
	_ =	strace $0x9FFFFFFF  }
0xc3: {  	(tm) =	ssettm $0x7FFFFFFF  }
tec
execute0_lowered:
.L_overlay_start_1:
0x0: {  	(tag) =	ssettag $0x1  }
0x1: {  	s5 =	rddreg [dreg:$0x0]  }
0x2: {  	s2 =	rddreg [dreg:$0x1]  }
0x3: {  	s3 =	rddreg [dreg:$0x2]  }
0x4: {  	s0 =	rddreg [dreg:$0x3];
	s1 =	stileid.u32  }
0x5: {  	s6 =	srdreg.scid;
	s4 =	simm.s32 $0x0;
	s12 =	simm.s32 $0x2800  }
0x6: {  	s16 =	simm.s32 $0x80;
	s17 =	simm.s32 $0x5000;
	s18 =	simm.s32 $0x5800  }
0x7: {  	s19 =	simm.s32 $0x1;
	s20 =	simm.s32 $0x2;
	s21 =	simm.s32 $0x2780  }
0x8: {  	s22 =	simm.s32 $0x4F00;
	s23 =	simm.s32 $0x4F80;
	s24 =	simm.s32 $0x0  }
0x9: {  	s8 =	smul.u32 $0x2800, s1;
	s6 =	sand.u32 $0x1, s6;
	[smem:$0x7FF] =	sst s4  }
0xa: {  	s7 =	sshll.u32 s1, $0x1;
	s13 =	sshll.u32 s1, $0x6;
	s9 =	smul.u32 $0x28000, s6  }
0xb: {  	_ =	strace $0x8000004D;
	s7 =	sor.u32 s6, s7;
	s6 =	ssub.s32 $0x2, s6  }
0xc: {  	s13 =	sor.u32 $0x1C03, s13;
	s10 =	sshrl.u32 s8, $0x3;
	s7 =	smul.u32 $0x500, s7  }
0xd: {  	s31 =	sshrl.u32 s6, $0x1;
	s14 =	sadd.s32 s8, s2;
	s15 =	sadd.s32 s8, s3  }
0xe: {  	s9 =	sadd.s32 s8, s9;
	s10 =	sadd.s32 s10, s5;
	s11 =	ssub.s32 s6, s31  }
0xf: {  	s14 =	sshrl.u32 s14, $0x3;
	s15 =	sshrl.u32 s15, $0x3;
	s9 =	sshrl.u32 s9, $0x3  }
0x10: {  	s7 =	sadd.s32 s7, s5;
	s8 =	sadd.s32 $0x10600, s10;
	s9 =	sadd.s32 s9, s5  }
0x11: {  	s5 =	sadd.s32 $0x1A600, s7;
	s6 =	sadd.s32 $0x1600, s7;
	s7 =	sadd.s32 $0xB600, s10  }
0x12: {  	s10 =	smax.u32 s11, $0x1;
	s11 =	simm.s32 $0x3;
	s9 =	sadd.s32 $0x24600, s9  }
.LBB2_1:
0x13: {  	[tilespmem:s4], [sflag:$0x3] =	stream.linear.gather [hbm4b:s5+s4], $0x2800, $0x38;
	[tilespmem:$0xB000] =	vst v63  }
0x14: {  	_ =	swait.ge [sflag:s11], $0x2800  }
0x15: {  	[sflag:s11] =	ssyncset.done $0x0  }
0x16: {  	[sflag:s11] =	ssyncadd.s32 $0xFFFFD800  }
0x17: {  	[tilespmem:s12], [sflag:$0x3] =	stream.linear.gather [hbm4b:s6+s4], $0x2800, $0x38;
	[tilespmem:$0xB000] =	vst v63  }
0x18: {  	_ =	swait.ge [sflag:s11], $0x2800  }
0x19: {  	[sflag:s11] =	ssyncset.done $0x0  }
0x1a: {  	[sflag:s11] =	ssyncadd.s32 $0xFFFFD800  }
0x1b: {  	[spmem:s14], [sflag:s13] =	dma.local [hbm:s7], $0x500  }
0x1c: {  	_ =	swait.ge [sflag:s11], $0x500  }
0x1d: {  	[sflag:s11] =	ssyncset.done $0x0  }
0x1e: {  	[sflag:s11] =	ssyncadd.s32 $0xFFFFFB00  }
0x1f: {  	[spmem:s15], [sflag:s13] =	dma.local [hbm:s8], $0x500  }
0x20: {  	_ =	swait.ge [sflag:s11], $0x500  }
0x21: {  	[sflag:s11] =	ssyncset.done $0x0  }
0x22: {  	[sflag:s11] =	ssyncadd.s32 $0xFFFFFB00  }
0x23: {  	[bflag:$0x0] =	sbarrier.arrive $0xFFFF  }
0x24: {  	[tilespmem:s17], [sflag:$0x1] =	stream.indirect.gather [spmem:s3], $0x10, s4, s16, $0xb8;
	[tilespmem:$0xB000] =	vst v63  }
0x25: {  	s25 =	simm.s32 $0x80  }
0x26: {  	[tilespmem:s18], [sflag:$0x2] =	stream.indirect.gather [spmem:s3], $0x10, s25, s16, $0xb8;
	[tilespmem:$0xB000] =	vst v63  }
0x27: {  	_ =	swait.ge [sflag:s19], $0x800  }
0x28: {  	[sflag:s19] =	ssyncset.done $0x0  }
0x29: {  	s29 =	simm.s32 $0x2800;
	[sflag:s19] =	ssyncadd.s32 $0xFFFFF800  }
0x2a: {  	[spmem:s2] =	stream.indirect.scatter.add.f32 [tilespmem:s17], [sflag:$0x3], $0x10, s29, s16, $0xb8;
	[tilespmem:$0xB000] =	vst v63  }
0x2b: {  	_ =	swait.ge [sflag:s11], $0x800  }
0x2c: {  	[sflag:s11] =	ssyncset.done $0x0  }
0x2d: {  	s30 =	simm.s32 $0x100;
	[sflag:s11] =	ssyncadd.s32 $0xFFFFF800  }
0x2e: {  	[tilespmem:s17], [sflag:$0x1] =	stream.indirect.gather [spmem:s3], $0x10, s30, s16, $0xb8;
	[tilespmem:$0xB000] =	vst v63  }
0x2f: {  	_ =	swait.ge [sflag:s20], $0x800  }
0x30: {  	[sflag:s20] =	ssyncset.done $0x0  }
0x31: {  	s31 =	simm.s32 $0x2880;
	[sflag:s20] =	ssyncadd.s32 $0xFFFFF800  }
0x32: {  	[spmem:s2] =	stream.indirect.scatter.add.f32 [tilespmem:s18], [sflag:$0x3], $0x10, s31, s16, $0xb8;
	[tilespmem:$0xB000] =	vst v63  }
0x33: {  	_ =	swait.ge [sflag:s11], $0x800  }
0x34: {  	s26 =	simm.s32 $0x800;
	s25 =	simm.s32 $0x100;
	[sflag:s11] =	ssyncset.done $0x0  }
.LBB2_2:
0x35: {  	s28 =	sadd.s32 $0x80, s25  }
0x36: {  	[sflag:s11] =	ssyncadd.s32 $0xFFFFF800;
	s29 =	smov.u32 s26;
	s30 =	sadd.s32 $0x400, s26  }
0x37: {  	[tilespmem:s18], [sflag:$0x2] =	stream.indirect.gather [spmem:s3], $0x10, s28, s16, $0xb8;
	[tilespmem:$0xB000] =	vst v63  }
0x38: {  	p0 =	sne.s32 s26, $0x9800;
	_ =	swait.ge [sflag:s19], $0x800  }
0x39: {  	[sflag:s19] =	ssyncset.done $0x0  }
0x3a: {  	s26 =	sadd.s32 $0x2800, s25;
	[sflag:s19] =	ssyncadd.s32 $0xFFFFF800  }
0x3b: {  	[spmem:s2] =	stream.indirect.scatter.add.f32 [tilespmem:s17], [sflag:$0x3], $0x10, s26, s16, $0xb8;
	[tilespmem:$0xB000] =	vst v63  }
0x3c: {  	_ =	swait.ge [sflag:s11], $0x800  }
0x3d: {  	[sflag:s11] =	ssyncset.done $0x0  }
0x3e: {  	s26 =	sadd.s32 $0x100, s25;
	[sflag:s11] =	ssyncadd.s32 $0xFFFFF800  }
0x3f: {  	[tilespmem:s17], [sflag:$0x1] =	stream.indirect.gather [spmem:s3], $0x10, s26, s16, $0xb8;
	[tilespmem:$0xB000] =	vst v63  }
0x40: {  	_ =	swait.ge [sflag:s20], $0x800  }
.Ltmp0:
0x41: {  	[sflag:s20] =	ssyncset.done $0x0;
	(pc) =	sbr.rel @p0 .LBB2_2-.Ltmp0, $4  }
0x42: {  	s25 =	sadd.s32 $0x2880, s25;
	[sflag:s20] =	ssyncadd.s32 $0xFFFFF800  }
0x43: {  	[spmem:s2] =	stream.indirect.scatter.add.f32 [tilespmem:s18], [sflag:$0x3], $0x10, s25, s16, $0xb8;
	[tilespmem:$0xB000] =	vst v63  }
0x44: {  	_ =	swait.ge [sflag:s11], $0x800  }
0x45: {  	s26 =	smov.u32 s30;
	s25 =	sshra.s32 s29, $0x2;
	[sflag:s11] =	ssyncset.done $0x0  }
0x46: {  	s26 =	sadd.s32 $0x80, s25;
	[sflag:s11] =	ssyncadd.s32 $0xFFFFF800  }
0x47: {  	[tilespmem:s18], [sflag:$0x2] =	stream.indirect.gather [spmem:s3], $0x10, s26, s16, $0xb8;
	[tilespmem:$0xB000] =	vst v63  }
0x48: {  	_ =	swait.ge [sflag:s19], $0x800  }
0x49: {  	[sflag:s19] =	ssyncset.done $0x0  }
0x4a: {  	s29 =	sadd.s32 $0x2800, s25;
	[sflag:s19] =	ssyncadd.s32 $0xFFFFF800  }
0x4b: {  	[spmem:s2] =	stream.indirect.scatter.add.f32 [tilespmem:s17], [sflag:$0x3], $0x10, s29, s16, $0xb8;
	[tilespmem:$0xB000] =	vst v63  }
0x4c: {  	_ =	swait.ge [sflag:s11], $0x800  }
0x4d: {  	[sflag:s11] =	ssyncset.done $0x0  }
0x4e: {  	s30 =	sadd.s32 $0x100, s25;
	[sflag:s11] =	ssyncadd.s32 $0xFFFFF800  }
0x4f: {  	[tilespmem:s17], [sflag:$0x1] =	stream.indirect.gather [spmem:s3], $0x10, s30, s16, $0xb8;
	[tilespmem:$0xB000] =	vst v63  }
0x50: {  	_ =	swait.ge [sflag:s20], $0x800  }
0x51: {  	[sflag:s20] =	ssyncset.done $0x0  }
0x52: {  	s31 =	sadd.s32 $0x2880, s25;
	[sflag:s20] =	ssyncadd.s32 $0xFFFFF800  }
0x53: {  	[spmem:s2] =	stream.indirect.scatter.add.f32 [tilespmem:s18], [sflag:$0x3], $0x10, s31, s16, $0xb8;
	[tilespmem:$0xB000] =	vst v63  }
0x54: {  	_ =	swait.ge [sflag:s11], $0x800  }
0x55: {  	[sflag:s11] =	ssyncset.done $0x0  }
0x56: {  	[sflag:s11] =	ssyncadd.s32 $0xFFFFF800  }
0x57: {  	[tilespmem:s18], [sflag:$0x2] =	stream.indirect.gather [spmem:s3], $0x10, s21, s16, $0xb8;
	[tilespmem:$0xB000] =	vst v63  }
0x58: {  	_ =	swait.ge [sflag:s19], $0x800  }
0x59: {  	[sflag:s19] =	ssyncset.done $0x0  }
0x5a: {  	[sflag:s19] =	ssyncadd.s32 $0xFFFFF800  }
0x5b: {  	[spmem:s2] =	stream.indirect.scatter.add.f32 [tilespmem:s17], [sflag:$0x3], $0x10, s22, s16, $0xb8;
	[tilespmem:$0xB000] =	vst v63  }
0x5c: {  	_ =	swait.ge [sflag:s11], $0x800  }
0x5d: {  	[sflag:s11] =	ssyncset.done $0x0  }
0x5e: {  	[sflag:s11] =	ssyncadd.s32 $0xFFFFF800  }
0x5f: {  	_ =	swait.ge [sflag:s20], $0x800  }
0x60: {  	[sflag:s20] =	ssyncset.done $0x0  }
0x61: {  	[sflag:s20] =	ssyncadd.s32 $0xFFFFF800  }
0x62: {  	[spmem:s2] =	stream.indirect.scatter.add.f32 [tilespmem:s18], [sflag:$0x3], $0x10, s23, s16, $0xb8;
	[tilespmem:$0xB000] =	vst v63  }
0x63: {  	_ =	swait.ge [sflag:s11], $0x800  }
0x64: {  	s24 =	sadd.s32 $0x1, s24;
	[sflag:s11] =	ssyncset.done $0x0  }
0x65: {  	p0 =	sne.s32 s24, s10;
	[sflag:s11] =	ssyncadd.s32 $0xFFFFF800  }
.Ltmp1:
0x66: {  	[bflag:$0x0] =	sbarrier.arrive $0xFFFF;
	(pc) =	sbr.rel @p0 .LBB2_1-.Ltmp1, $4  }
0x67: {  	[hbm:s9], [sflag:s13] =	dma.local [spmem:s14], $0x500  }
0x68: {  	_ =	swait.ge [sflag:s11], $0x500  }
0x69: {  	[sflag:s11] =	ssyncset.done $0x0  }
0x6a: {  	[sflag:s11] =	ssyncadd.s32 $0xFFFFFB00  }
0x6b: {  	_ =	sfence.sel $0x180000  }
0x6c: {  	[bflag:$0x0] =	sbarrier.arrive $0xFFFF  }
0x6d: {  	p0 =	sne.s32 s1, $0x0;
	_ =	strace $0x9000004D  }
0x6e: {  	s0 =	sadd.s32 @!p0 $0x100000, s0;
	[bflag:$0x2] =	sbarrier.arrive $0xFFFF  }
0x6f: {  	[sflag:s0] =	ssyncadd.tile.s32 @!p0 $0x1;
	_ =	shalt  }
.Lfunc_end2:
_tile_overlayer_lowered:
.L_overlay_start_2:
0x70: {  	(tag) =	ssettag $0x2  }
0x71: {  	s0 =	rddreg [dreg:$0x0];
	s2 =	stileid.u32  }
0x72: {  	s1 =	rddreg [dreg:$0x1];
	p0 =	sne.s32 s2, $0x0  }
0x73: {  	s3 =	rddreg [dreg:$0x2];
	[bflag:$0x3] =	sbarrier.arrive $0xFFFF;
	s2 =	simm.s32 @!p0 $0x1C03  }
0x74: {  	[timem:s3], [sflag:s2] =	dma.local @!p0 [hbm:s0], s1  }
0x75: {  	s0 =	simm.s32 @!p0 $0x3  }
0x76: {  	_ =	swait.ge @!p0 [sflag:s0], s1  }
0x77: {  	s1 =	ssub.s32 @!p0 $0x0, s1;
	[sflag:s0] =	ssyncset.done @!p0 $0x0  }
0x78: {  	[sflag:s0] =	ssyncadd.s32 @!p0 s1  }
0x79: {  	[bflag:$0x3] =	sbarrier.arrive $0xFFFF  }
0x7a: {  	_ =	shalt  }

// kernel: kernel.8.cloned.1.call-start
scs
__scs_entry_jumppad:
0x0: {  	(pc) =	sbr.rel $0x88, $3  }
0x1: {  	(tag) =	ssettag $0x0;
	lr =	simm.s32 $0x1  }
0x2: {  	[smem:$0x3F9B] =	sst lr;
	_ =	strace $0xD0000000  }
0x3: {  	_ = 	snop  }
0x4: {  	_ = 	snop  }
0x5: {  	_ = 	snop  }
0x6: {  	_ = 	snop  }
0x7: {  	_ = 	snop  }
__scs_overlays_trampoline_lowered:
0x8: {  	[smem:$0x3FAA] =	sst s0  }
0x9: {  	[smem:$0x3FAB] =	sst s1  }
0xa: {  	[smem:$0x3FAC] =	sst s2  }
0xb: {  	[smem:$0x3FAD] =	sst s3  }
0xc: {  	[smem:$0x3FAE] =	sst s4  }
0xd: {  	[smem:$0x3FAF] =	sst s5  }
0xe: {  	[smem:$0x3FB0] =	sst s6  }
0xf: {  	[smem:$0x3FB1] =	sst s7  }
0x10: {  	[smem:$0x3FB2] =	sst s8  }
0x11: {  	[smem:$0x3FB3] =	sst s9;
	s0 =	simm.s32 @!p0 $0x0  }
0x12: {  	s1 =	sld [smem:$0x3F99];
	s0 =	simm.s32 @p0 $0x1  }
0x13: {  	[smem:$0x3FB4] =	sst s0;
	s0 =	simm.s32 @!p1 $0x0  }
0x14: {  	s2 =	sld [smem:$0x3F98];
	s0 =	simm.s32 @p1 $0x1  }
0x15: {  	[smem:$0x3FB5] =	sst s0;
	s0 =	simm.s32 @!p2 $0x0  }
0x16: {  	s3 =	sld [smem:$0x3FDB];
	s0 =	simm.s32 @p2 $0x1  }
0x17: {  	s4 =	simm.s32 $0x1BF5;
	[smem:$0x3FB7] =	sst s0  }
0x18: {  	s0 =	sld [smem:$0x3F9A];
	_ =	swait.ge [sflag:s4], $0x0  }
0x19: {  	s7 =	sld [smem:$0x3F9B]  }
0x1a: {  	s8 =	sadd.s32 $0xFFFFE003, lr  }
0x1b: {  	s9 =	sadd.s32 $0xFFFFFEF7, lr;
	s5 =	simm.s32 $0xFFFFFFFF;
	p2 =	slt.u32 s8, $0xFFFFF086  }
0x1c: {  	p1 =	slt.u32 s9, $0xF7A;
	s5 =	simm.s32 @!p2 $0x0  }
0x1d: {  	s5 =	simm.s32 @p1 $0x1;
	p0 =	seq.s32 s7, s2  }
0x1e: {  	s7 =	smul.u32 @!p0 $0xF7A, s2;
	p2 =	seq.s32 @!p0 s5, $0x0  }
0x1f: {  	s9 =	smul.u32 $0xF7A, s1;
	s8 =	simm.s32 @!p0 $0x1BF5;
	p2 =	por !p2, p0  }
0x20: {  	[sflag:s8] =	ssyncset.s32 @!p0 $0xFFFFF086;
	s6 =	sadd.s32 @!p0 s3, s7;
	s7 =	simm.s32 @!p0 $0x108  }
0x21: {  	s3 =	sadd.s32 s3, s9;
	s6 =	sadd.s32 @!p0 $0x88, s6;
	s7 =	simm.s32 @p2 $0x1082  }
0x22: {  	[simem:s7], [sflag:s8] =	dma.local @!p0 [hbm:s6], $0xF7A  }
0x23: {  	s9 =	sor.u32 $0xD0000000, s2;
	s6 =	simm.s32 $0x108;
	_ =	swait.ge @!p0 [sflag:s8], $0x0  }
0x24: {  	s3 =	sadd.s32 $0x88, s3;
	s6 =	simm.s32 @!p1 $0x1082;
	[sflag:s4] =	ssyncset.s32 $0xFFFFF086  }
0x25: {  	[simem:s6], [sflag:s4] =	dma.local [hbm:s3], $0xF7A  }
0x26: {  	[smem:$0x3F9B] =	sst s1;
	(tag) =	ssettag s2;
	_ =	strace s9  }
0x27: {  	s1 =	sld [smem:$0x3FAB]  }
0x28: {  	s2 =	sld [smem:$0x3FAC]  }
0x29: {  	s4 =	sld [smem:$0x3FAE]  }
0x2a: {  	p0 =	seq.s32 s5, $0x0;
	s5 =	sld [smem:$0x3FAF]  }
0x2b: {  	s6 =	sld [smem:$0x3FB0]  }
0x2c: {  	s7 =	sld [smem:$0x3FB1]  }
0x2d: {  	s3 =	simm.s32 $0x108;
	s8 =	sld [smem:$0x3FB2]  }
0x2e: {  	s3 =	simm.s32 @!p0 $0x1082;
	s9 =	sld [smem:$0x3FB3]  }
0x2f: {  	lr =	sadd.s32 s0, s3;
	s0 =	sld [smem:$0x3FAA]  }
0x30: {  	s3 =	sld [smem:$0x3FAD]  }
0x31: {  	[smem:$0x3FB6] =	sst s10  }
0x32: {  	s10 =	sld [smem:$0x3FB4];
	_ =	sdelay $0x3  }
0x33: {  	p0 =	seq.s32 s10, $0x1;
	s10 =	sld [smem:$0x3FB6];
	_ =	sdelay $0x3  }
0x34: {  	[smem:$0x3FB6] =	sst s10  }
0x35: {  	s10 =	sld [smem:$0x3FB5];
	_ =	sdelay $0x3  }
0x36: {  	p1 =	seq.s32 s10, $0x1;
	s10 =	sld [smem:$0x3FB6];
	_ =	sdelay $0x3  }
0x37: {  	[smem:$0x3FB6] =	sst s10  }
0x38: {  	s10 =	sld [smem:$0x3FB7]  }
0x39: {  	_ = 	snop;
	(pc) =	sbr.ind lr, $3  }
0x3a: {  	_ = 	snop  }
0x3b: {  	_ = 	snop  }
0x3c: {  	p2 =	seq.s32 s10, $0x1;
	s10 =	sld [smem:$0x3FB6]  }
0x3d: {  	_ =	shalt  }
0x3e: {  	_ =	shalt  }
0x3f: {  	_ =	shalt  }
0x40: {  	_ =	shalt  }
0x41: {  	_ =	shalt  }
0x42: {  	_ =	shalt  }
0x43: {  	_ =	shalt  }
0x44: {  	_ =	shalt  }
0x45: {  	_ =	shalt  }
0x46: {  	_ =	shalt  }
0x47: {  	_ =	shalt  }
0x48: {  	_ =	shalt  }
0x49: {  	_ =	shalt  }
0x4a: {  	_ =	shalt  }
0x4b: {  	_ =	shalt  }
0x4c: {  	_ =	shalt  }
0x4d: {  	_ =	shalt  }
0x4e: {  	_ =	shalt  }
0x4f: {  	_ =	shalt  }
0x50: {  	_ =	shalt  }
0x51: {  	_ =	shalt  }
0x52: {  	_ =	shalt  }
0x53: {  	_ =	shalt  }
0x54: {  	_ =	shalt  }
0x55: {  	_ =	shalt  }
0x56: {  	_ =	shalt  }
0x57: {  	_ =	shalt  }
0x58: {  	_ =	shalt  }
0x59: {  	_ =	shalt  }
0x5a: {  	_ =	shalt  }
0x5b: {  	_ =	shalt  }
0x5c: {  	_ =	shalt  }
0x5d: {  	_ =	shalt  }
0x5e: {  	_ =	shalt  }
0x5f: {  	_ =	shalt  }
0x60: {  	_ =	shalt  }
0x61: {  	_ =	shalt  }
0x62: {  	_ =	shalt  }
0x63: {  	_ =	shalt  }
0x64: {  	_ =	shalt  }
0x65: {  	_ =	shalt  }
0x66: {  	_ =	shalt  }
0x67: {  	_ =	shalt  }
0x68: {  	_ =	shalt  }
0x69: {  	_ =	shalt  }
0x6a: {  	_ =	shalt  }
0x6b: {  	_ =	shalt  }
0x6c: {  	_ =	shalt  }
0x6d: {  	_ =	shalt  }
0x6e: {  	_ =	shalt  }
0x6f: {  	_ =	shalt  }
0x70: {  	_ =	shalt  }
0x71: {  	_ =	shalt  }
0x72: {  	_ =	shalt  }
0x73: {  	_ =	shalt  }
0x74: {  	_ =	shalt  }
0x75: {  	_ =	shalt  }
0x76: {  	_ =	shalt  }
0x77: {  	_ =	shalt  }
0x78: {  	_ =	shalt  }
0x79: {  	_ =	shalt  }
0x7a: {  	_ =	shalt  }
0x7b: {  	_ =	shalt  }
0x7c: {  	_ =	shalt  }
0x7d: {  	_ =	shalt  }
0x7e: {  	_ =	shalt  }
0x7f: {  	_ =	shalt  }
0x80: {  	_ =	shalt  }
0x81: {  	_ =	shalt  }
0x82: {  	_ =	shalt  }
0x83: {  	_ =	shalt  }
0x84: {  	_ =	shalt  }
0x85: {  	_ =	shalt  }
0x86: {  	_ =	shalt  }
0x87: {  	_ =	shalt  }
.Lfunc_end0:
.L_simem_size_0:
called_computation_lowered:
.L_overlay_start_0:
0x88: {  	s2 =	sld [smem:$0x3FD9]  }
0x89: {  	s3 =	sld [smem:$0x3FFE];
	_ =	sdelay $0x1  }
0x8a: {  	s1 =	srdreg.scid  }
0x8b: {  	s0 =	sand.u32 $0x1, s1  }
0x8c: {  	s17 =	sshll.u32 s0, $0xA;
	s2 =	sadd.s32 s3, s2  }
0x8d: {  	s2 =	sadd.s32 s2, s17  }
0x8e: {  	[smem:$0x3FC2] =	sst s2  }
0x8f: {  	_ = 	snop  }
0x90: {  	s2 =	sld [smem:$0x3FD0];
	(tm) =	ssettm $0x1  }
0x91: {  	s18 =	sld [smem:$0x3FFB];
	_ =	sdelay $0x3  }
0x92: {  	_ =	strace s18  }
0x93: {  	s3 =	sld [smem:$0x3FFC];
	_ =	sdelay $0x3  }
0x94: {  	_ =	strace s3  }
0x95: {  	s3 =	sld [smem:$0x3FFD];
	_ =	sdelay $0x3  }
0x96: {  	_ =	strace s3  }
0x97: {  	_ =	strace $0x8FFFFFFF  }
0x98: {  	s19 =	sld [smem:$0x3FDB];
	_ =	sdelay $0x1  }
0x99: {  	s4 =	simm.s32 $_scs_section_size  }
0x9a: {  	s5 =	simm.s32 $_size__tile_overlayer_lowered;
	s6 =	simm.s32 $_tile_overlayer_lowered  }
0x9b: {  	s22 =	simm.s32 $0x1BFF;
	s21 =	sshll.u32 s6, $0x1;
	s3 =	sadd.s32 s4, s19  }
0x9c: {  	s7 =	simm.s32 $0x0;
	s20 =	sshll.u32 s5, $0x1;
	s5 =	sadd.s32 s21, s3  }
0x9d: {  	[timem:s7], [sflag:s22] =	dma.local [hbm:s5], s20  }
0x9e: {  	_ =	swait.ge [sflag:s22], s20  }
0x9f: {  	s4 =	ssub.s32 $0x0, s20;
	[sflag:s22] =	ssyncset.done $0x0  }
0xa0: {  	[sflag:s22] =	ssyncadd.s32 s4;
	_ =	sdelay $0x1  }
0xa1: {  	s23 =	simm.s32 $0x1B8B  }
0xa2: {  	_ =	swait.ge [sflag:s23], $0x1  }
0xa3: {  	[sflag:s23] =	ssyncset.done $0x0  }
0xa4: {  	s25 =	simm.s32 $0x1B8E;
	s24 =	sld [smem:$0x3FFE];
	[sflag:s23] =	ssyncadd.s32 $0xFFFFFFFF  }
0xa5: {  	s26 =	simm.s32 $execute0_lowered;
	[smem:$0x3FD2] =	sst s25  }
0xa6: {  	s5 =	sshll.u32 s26, $0x1;
	_ =	strace $0x80000046;
	[dreg:$0x1] =	wrdreg $0xFFFFFFFF  }
0xa7: {  	s28 =	simm.s32 $_size_execute0_lowered;
	s3 =	sadd.s32 s3, s5;
	[dreg:$0x0] =	wrdreg $0x0  }
0xa8: {  	s5 =	sshll.u32 s28, $0x1;
	[dreg:$0x2] =	wrdreg s3  }
0xa9: {  	[dreg:$0x3] =	wrdreg s5  }
0xaa: {  	[dreg:$0x4] =	wrdreg $0xC0  }
0xab: {  	_ =	task [dreg:s7], $0x5FFFF  }
0xac: {  	[dreg:$0x1] =	wrdreg $0xFFFFFFFF  }
0xad: {  	[dreg:$0x0] =	wrdreg $0x60  }
0xae: {  	[dreg:$0x2] =	wrdreg s24  }
0xaf: {  	[dreg:$0x3] =	wrdreg s2  }
0xb0: {  	[dreg:$0x4] =	wrdreg $0x30000  }
0xb1: {  	[dreg:$0x5] =	wrdreg $0x9  }
0xb2: {  	_ =	task.clear_ibuf [dreg:s7], $0x6FFFF;
	_ =	strace $0x90000046  }
0xb3: {  	s29 =	simm.s32 $0x9;
	_ =	strace $0x80000048  }
0xb4: {  	_ =	swait.ge [sflag:s29], $0x1  }
0xb5: {  	[sflag:s29] =	ssyncadd.s32 $0xFFFFFFFF  }
0xb6: {  	_ =	strace $0x90000048  }
0xb7: {  	_ =	sfence  }
0xb8: {  	s30 =	sld [smem:$0x0];
	_ =	sdelay $0x2  }
0xb9: {  	s31 =	sshll.u32 s1, $0xD;
	s1 =	sshrl.u32 s1, $0x2  }
0xba: {  	s3 =	sand.u32 $0x4000, s31;
	s1 =	sadd.s32 s1, s30  }
0xbb: {  	s0 =	sor.u32 s3, s0;
	s1 =	sshll.u32 s1, $0x11  }
0xbc: {  	s0 =	sor.u32 s1, s0  }
0xbd: {  	s0 =	sadd.s32 $0x8F2B, s0  }
0xbe: {  	[sflag:s0] =	ssyncadd.remote.s32 $0x1  }
0xbf: {  	_ =	sfence.sel $0xFFFF  }
0xc0: {  	[dreg:$0x0] =	wrdreg $0xFFFFFFFF;
	(pc) =	sbr.abs _section_cstart, $3  }
0xc1: {  	[dreg:$0x1] =	wrdreg $0xFFFFFFFF  }
0xc2: {  	_ =	task.clear_ibuf [dreg:s7], $0x2FFFF;
	_ =	strace $0x9FFFFFFF  }
0xc3: {  	(tm) =	ssettm $0x7FFFFFFF  }
tec
execute0_lowered:
.L_overlay_start_1:
0x0: {  	(tag) =	ssettag $0x1  }
0x1: {  	s5 =	rddreg [dreg:$0x0]  }
0x2: {  	s1 =	srdreg.scid;
	s2 =	rddreg [dreg:$0x1]  }
0x3: {  	s0 =	stileid.u32;
	s3 =	rddreg [dreg:$0x2];
	s4 =	simm.s32 $0x0  }
0x4: {  	s13 =	simm.s32 $0x80;
	s14 =	simm.s32 $0x0;
	s6 =	sand.u32 $0x1, s1  }
0x5: {  	s30 =	sshll.u32 s0, $0x1;
	s8 =	smul.u32 $0x2800, s0;
	[smem:$0x7FF] =	sst s4  }
0x6: {  	s31 =	sshll.u32 s0, $0x6;
	s1 =	sor.u32 s6, s30;
	s9 =	smul.u32 $0x28000, s6  }
0x7: {  	s6 =	ssub.s32 $0x2, s6;
	s7 =	smul.u32 $0x500, s1;
	s1 =	rddreg [dreg:$0x3]  }
0x8: {  	_ =	strace $0x80000047;
	s10 =	sshrl.u32 s8, $0x3;
	s11 =	sshrl.u32 s6, $0x1  }
0x9: {  	s12 =	sadd.s32 s8, s3;
	s9 =	sadd.s32 s8, s9;
	s10 =	sadd.s32 s10, s5  }
0xa: {  	s11 =	ssub.s32 s6, s11;
	s12 =	sshrl.u32 s12, $0x3;
	s7 =	sadd.s32 s7, s5  }
0xb: {  	s9 =	sshrl.u32 s9, $0x3;
	s6 =	sadd.s32 $0xB600, s10;
	s8 =	smax.u32 s11, $0x1  }
0xc: {  	s10 =	simm.s32 $0x2800;
	s11 =	sor.u32 $0x1C01, s31;
	s9 =	sadd.s32 s9, s5  }
0xd: {  	s5 =	sadd.s32 $0x1600, s7;
	s7 =	sadd.s32 $0x10600, s9;
	s9 =	simm.s32 $0x1  }
.LBB2_1:
0xe: {  	[tilespmem:s4], [sflag:$0x1] =	stream.linear.gather [hbm4b:s5+s4], $0x2800, $0x38;
	[tilespmem:$0x5800] =	vst v63  }
0xf: {  	_ =	swait.ge [sflag:s9], $0x2800  }
0x10: {  	[sflag:s9] =	ssyncset.done $0x0  }
0x11: {  	[sflag:s9] =	ssyncadd.s32 $0xFFFFD800  }
0x12: {  	[tilespmem:s10], [sflag:$0x1] =	stream.linear.gather [hbm4b:s2+s4], $0x800, $0x38;
	[tilespmem:$0x5800] =	vst v63  }
0x13: {  	_ =	swait.ge [sflag:s9], $0x800  }
0x14: {  	[sflag:s9] =	ssyncset.done $0x0  }
0x15: {  	[sflag:s9] =	ssyncadd.s32 $0xFFFFF800  }
0x16: {  	[spmem:s12], [sflag:s11] =	dma.local [hbm:s6], $0x500  }
0x17: {  	_ =	swait.ge [sflag:s9], $0x500  }
0x18: {  	[sflag:s9] =	ssyncset.done $0x0  }
0x19: {  	[sflag:s9] =	ssyncadd.s32 $0xFFFFFB00  }
0x1a: {  	s15 =	simm.s32 $0x0;
	[bflag:$0x0] =	sbarrier.arrive $0xFFFF  }
0x1b: {  	[spmem:s3] =	stream.indirect.scatter.add.f32 [tilespmem:s10], [sflag:$0x1], $0x10, s15, s13, $0xb8;
	[tilespmem:$0x5800] =	vst v63  }
0x1c: {  	_ =	swait.ge [sflag:s9], $0x800  }
0x1d: {  	s15 =	simm.s32 $0x200;
	[sflag:s9] =	ssyncset.done $0x0  }
.LBB2_2:
0x1e: {  	s16 =	sshra.s32 s15, $0x2;
	[sflag:s9] =	ssyncadd.s32 $0xFFFFF800;
	p0 =	sne.s32 s15, $0x9E00  }
0x1f: {  	[spmem:s3] =	stream.indirect.scatter.add.f32 [tilespmem:s10], [sflag:$0x1], $0x10, s16, s13, $0xb8;
	[tilespmem:$0x5800] =	vst v63  }
.Ltmp0:
0x20: {  	_ = 	snop;
	(pc) =	sbr.rel @p0 .LBB2_2-.Ltmp0, $4  }
0x21: {  	_ = 	snop  }
0x22: {  	s15 =	sadd.s32 $0x200, s15  }
0x23: {  	_ =	swait.ge [sflag:s9], $0x800  }
0x24: {  	[sflag:s9] =	ssyncset.done $0x0  }
0x25: {  	s14 =	sadd.s32 $0x1, s14  }
0x26: {  	[sflag:s9] =	ssyncadd.s32 $0xFFFFF800;
	p0 =	sne.s32 s14, s8  }
.Ltmp1:
0x27: {  	[bflag:$0x0] =	sbarrier.arrive $0xFFFF;
	(pc) =	sbr.rel @p0 .LBB2_1-.Ltmp1, $4  }
0x28: {  	[hbm:s7], [sflag:s11] =	dma.local [spmem:s12], $0x500  }
0x29: {  	_ =	swait.ge [sflag:s9], $0x500  }
0x2a: {  	[sflag:s9] =	ssyncset.done $0x0  }
0x2b: {  	[sflag:s9] =	ssyncadd.s32 $0xFFFFFB00  }
0x2c: {  	_ =	sfence.sel $0x180000  }
0x2d: {  	[bflag:$0x0] =	sbarrier.arrive $0xFFFF  }
0x2e: {  	p0 =	sne.s32 s0, $0x0;
	_ =	strace $0x90000047  }
0x2f: {  	s0 =	sadd.s32 @!p0 $0x100000, s1;
	[bflag:$0x2] =	sbarrier.arrive $0xFFFF  }
0x30: {  	[sflag:s0] =	ssyncadd.tile.s32 @!p0 $0x1;
	_ =	shalt  }
.Lfunc_end2:
_tile_overlayer_lowered:
.L_overlay_start_2:
0x31: {  	(tag) =	ssettag $0x2  }
0x32: {  	s0 =	rddreg [dreg:$0x0];
	s2 =	stileid.u32  }
0x33: {  	s1 =	rddreg [dreg:$0x1];
	p0 =	sne.s32 s2, $0x0  }
0x34: {  	s3 =	rddreg [dreg:$0x2];
	[bflag:$0x3] =	sbarrier.arrive $0xFFFF;
	s2 =	simm.s32 @!p0 $0x1C01  }
0x35: {  	[timem:s3], [sflag:s2] =	dma.local @!p0 [hbm:s0], s1  }
0x36: {  	s0 =	simm.s32 @!p0 $0x1  }
0x37: {  	_ =	swait.ge @!p0 [sflag:s0], s1  }
0x38: {  	s1 =	ssub.s32 @!p0 $0x0, s1;
	[sflag:s0] =	ssyncset.done @!p0 $0x0  }
0x39: {  	[sflag:s0] =	ssyncadd.s32 @!p0 s1  }
0x3a: {  	[bflag:$0x3] =	sbarrier.arrive $0xFFFF  }
0x3b: {  	_ =	shalt  }

</sc_bundles>
